<compile_context>
chip_gen: v7x
topology: tpu7x:2x2x1
jax: 0.10.2.dev20260603
libtpu: 0.0.44.dev20260713+nightly
codegen_flags: <defaults>
</compile_context>

<pallas_src>
import jax
import jax.numpy as jnp
from jax import lax
from jax.experimental import pallas as pl
from jax.experimental.pallas import tpu as pltpu
from jax.experimental.pallas import tpu_sc as plsc

_B = 16384
_F = 26
_VOCAB = 100000
_ED = 32
_NC_CON = 13
_HD = 64
_NOUT = 2

_SC_CORES = 2
_SC_SUBCORES = 16
_NW = _SC_CORES * _SC_SUBCORES

_NH = 2
_BH = _B // _NH

_CB = 25088
_NJ = -(-_VOCAB // _CB)
_RPF = _NJ * (_CB // 4)


def _transpose_body(x_ref, o_ref):
    x = x_ref[0]
    j = pl.program_id(1)
    col = jax.lax.broadcasted_iota(jnp.int32, (_ED, _CB), 1)
    x = jnp.where(col < _VOCAB - j * _CB, x, 0.0)
    q = _CB // 4
    xb = jnp.concatenate([x[:, k * q:(k + 1) * q] for k in range(4)], axis=0)
    eye = jnp.eye(4 * _ED, dtype=jnp.float32)
    o_ref[...] = jax.lax.dot_general(
        xb, eye, (((0,), (0,)), ((), ())),
        preferred_element_type=jnp.float32)


def _relayout(embT):
    return pl.pallas_call(
        _transpose_body,
        grid=(_F, _NJ),
        in_specs=[pl.BlockSpec((1, _ED, _CB), lambda f, j: (f, 0, j))],
        out_specs=pl.BlockSpec((_CB // 4, 4 * _ED),
                               lambda f, j: (f * _NJ + j, 0)),
        out_shape=jax.ShapeDtypeStruct((_F * _RPF, 4 * _ED), jnp.float32),
        compiler_params=pltpu.CompilerParams(
            fuse_transposed_lhs_in_matmul=True),
    )(embT)


_NBUF = 3
_CHUNK = 512


def _gather_body(nch, rpw, table_hbm, idx_hbm, out_hbm, idx_v, *rest):
    bufs = rest[:_NBUF]
    gsems = rest[_NBUF:2 * _NBUF]
    osems = rest[2 * _NBUF:3 * _NBUF]
    wid = lax.axis_index("s") * _SC_CORES + lax.axis_index("c")
    base = wid * rpw
    pltpu.sync_copy(idx_hbm.at[pl.ds(base, rpw)], idx_v)

    go = [None] * _NBUF
    oo = [None] * _NBUF

    def fire_gather(c, b):
        return pltpu.async_copy(
            table_hbm.at[idx_v.at[pl.ds(c * _CHUNK, _CHUNK)]],
            bufs[b], gsems[b])

    def fire_out(c, b):
        return pltpu.async_copy(
            bufs[b], out_hbm.at[pl.ds(base + c * _CHUNK, _CHUNK)], osems[b])

    lag = _NBUF - 1
    for c in range(nch):
        b = c % _NBUF
        if oo[b] is not None:
            oo[b].wait()
        go[b] = fire_gather(c, b)
        d = c - lag
        if d >= 0:
            bb = d % _NBUF
            go[bb].wait()
            oo[bb] = fire_out(d, bb)
    for d in range(max(0, nch - lag), nch):
        bb = d % _NBUF
        go[bb].wait()
        oo[bb] = fire_out(d, bb)
    for b in range(_NBUF):
        if oo[b] is not None:
            oo[b].wait()


def _sc_gather(table, idx, rows):
    rpw = rows // _NW
    nch = rpw // _CHUNK
    mesh = plsc.VectorSubcoreMesh(
        core_axis_name="c", subcore_axis_name="s",
        num_cores=_SC_CORES, num_subcores=_SC_SUBCORES)

    def body(*args):
        _gather_body(nch, rpw, *args)

    return pl.kernel(
        body,
        out_type=jax.ShapeDtypeStruct((rows, _ED), jnp.float32),
        mesh=mesh,
        scratch_types=(
            [pltpu.VMEM((rpw,), jnp.int32)]
            + [pltpu.VMEM((_CHUNK, _ED), jnp.float32)] * _NBUF
            + [pltpu.SemaphoreType.DMA] * (2 * _NBUF)
        ),
        compiler_params=pltpu.CompilerParams(use_tc_tiling_on_sc=False),
    )(table, idx)


def _mlp_body(xe_ref, xc_ref, w1_ref, b1_ref, w2_ref, b2_ref, wout_ref,
              bout_ref, o_ref):
    h1 = jnp.dot(xe_ref[...], w1_ref[...], preferred_element_type=jnp.float32)
    h1 = jnp.maximum(h1 + b1_ref[...], 0.0)
    h2 = jnp.dot(xc_ref[...], w2_ref[...], preferred_element_type=jnp.float32)
    h2 = jnp.maximum(h2 + b2_ref[...], 0.0)
    o = jnp.dot(h2, wout_ref[0:_HD, :], preferred_element_type=jnp.float32)
    o += jnp.dot(h1, wout_ref[_HD:2 * _HD, :],
                 preferred_element_type=jnp.float32)
    o_ref[...] = o + bout_ref[...]


_BLK = 2048


def _mlp(xe, xc, W1, b1, W2, b2, Wout, bout):
    nrows = xe.shape[0]
    grid = (nrows // _BLK,)
    return pl.pallas_call(
        _mlp_body,
        grid=grid,
        in_specs=[
            pl.BlockSpec((_BLK, _F * _ED), lambda i: (i, 0)),
            pl.BlockSpec((_BLK, _NC_CON), lambda i: (i, 0)),
            pl.BlockSpec((_F * _ED, _HD), lambda i: (0, 0)),
            pl.BlockSpec((1, _HD), lambda i: (0, 0)),
            pl.BlockSpec((_NC_CON, _HD), lambda i: (0, 0)),
            pl.BlockSpec((1, _HD), lambda i: (0, 0)),
            pl.BlockSpec((2 * _HD, _NOUT), lambda i: (0, 0)),
            pl.BlockSpec((1, _NOUT), lambda i: (0, 0)),
        ],
        out_specs=pl.BlockSpec((_BLK, _NOUT), lambda i: (i, 0)),
        out_shape=jax.ShapeDtypeStruct((nrows, _NOUT), jnp.float32),
    )(xe, xc, W1, b1, W2, b2, Wout, bout)


def kernel(x_cat, x_con, emb, W1, b1, W2, b2, Wout, bout):
    embT = jnp.transpose(emb, (0, 2, 1))
    table = _relayout(embT).reshape(-1).reshape(4 * _F * _RPF, _ED)
    q = _CB // 4
    v = x_cat
    offs = (jnp.arange(_F, dtype=jnp.int32) * _RPF)[None, :]
    rows128 = offs + (v // _CB) * q + (v % q)
    idx = (rows128 * 4 + (v % _CB) // q).reshape(-1)
    b1r, b2r, boutr = b1.reshape(1, -1), b2.reshape(1, -1), bout.reshape(1, -1)
    outs = []
    for h in range(_NH):
        r0 = h * _BH * _F
        xe = _sc_gather(table, lax.slice(idx, (r0,), (r0 + _BH * _F,)),
                        _BH * _F)
        xe = xe.reshape(_BH, _F * _ED)
        xc = lax.slice(x_con, (h * _BH, 0), ((h + 1) * _BH, _NC_CON))
        outs.append(_mlp(xe, xc, W1, b1r, W2, b2r, Wout, boutr))
    return jnp.concatenate(outs, axis=0)

# --- scband reference (transcript-rebuilt; emitter-appended) ---
"""Pipeline reference for scband-embedding-classification-78099685310520 (READ-ONLY COPY).

The authoritative reference and input builder live on the scoring server;
editing this copy changes nothing except your own understanding.
"""

import jax, jax.numpy as jnp
import numpy as np

B = 16384
F = 26
VOCAB = 100000
ED = 32
NC = 13
HD = 64
NOUT = 2

def setup_inputs(seed: int = 0) -> dict:
    key = jax.random.key(seed)
    ks = jax.random.split(key, 10)
    x_cat = jax.random.randint(ks[0], (B, F), 0, VOCAB, dtype=jnp.int64 if jax.config.jax_enable_x64 else jnp.int32).astype(jnp.int32)
    x_con = jax.random.normal(ks[1], (B, NC), dtype=jnp.float32)
    emb = jax.random.normal(ks[2], (F, VOCAB, ED), dtype=jnp.float32) * 0.01
    W1 = jax.random.normal(ks[3], (F * ED, HD), dtype=jnp.float32) * 0.02
    b1 = jnp.zeros((HD,), dtype=jnp.float32)
    W2 = jax.random.normal(ks[4], (NC, HD), dtype=jnp.float32) * 0.02
    b2 = jnp.zeros((HD,), dtype=jnp.float32)
    Wout = jax.random.normal(ks[5], (2 * HD, NOUT), dtype=jnp.float32) * 0.02
    bout = jnp.zeros((NOUT,), dtype=jnp.float32)
    return {"x_cat": x_cat, "x_con": x_con, "emb": emb, "W1": W1, "b1": b1, "W2": W2, "b2": b2, "Wout": Wout, "bout": bout}

def reference(x_cat, x_con, emb, W1, b1, W2, b2, Wout, bout):
    # per-field embedding lookup, then concat along feature dim: [B, F*ED]
    x_embed = jnp.concatenate([jnp.take(emb[i], x_cat[:, i], axis=0) for i in range(F)], axis=1)
    x_embed = x_embed @ W1 + b1            # fc1: [B, HD]
    x_c = x_con @ W2 + b2                  # fc2: [B, HD]
    x = jnp.concatenate([x_c, x_embed], axis=1)  # [B, 2*HD] (squeeze is a no-op for B>1)
    x = jax.nn.relu(x)
    return x @ Wout + bout                 # [B, NOUT]

if __name__ == "__main__":
    import jax
    _d = setup_inputs()
    print(jax.jit(kernel)(*tuple(_d.values())))

</pallas_src>

<mosaic_0001>
#map = affine_map<(d0, d1) -> (0, 0)>
#map1 = affine_map<(d0, d1) -> (0)>
module attributes {stable_mosaic.version = 14 : i64} {
  func.func @body(%arg0: i32, %arg1: i32, %arg2: memref<2609152x32xf32, #tpu.memory_space<hbm>>, %arg3: memref<212992xi32, #tpu.memory_space<hbm>>, %arg4: memref<212992x32xf32, #tpu.memory_space<hbm>>, %arg5: memref<6656xi32, #tpu.memory_space<vmem>>, %arg6: memref<512x32xf32, #tpu.memory_space<vmem>>, %arg7: memref<512x32xf32, #tpu.memory_space<vmem>>, %arg8: memref<512x32xf32, #tpu.memory_space<vmem>>, %arg9: memref<!tpu.dma_semaphore, #tpu.memory_space<semaphore_mem>>, %arg10: memref<!tpu.dma_semaphore, #tpu.memory_space<semaphore_mem>>, %arg11: memref<!tpu.dma_semaphore, #tpu.memory_space<semaphore_mem>>, %arg12: memref<!tpu.dma_semaphore, #tpu.memory_space<semaphore_mem>>, %arg13: memref<!tpu.dma_semaphore, #tpu.memory_space<semaphore_mem>>, %arg14: memref<!tpu.dma_semaphore, #tpu.memory_space<semaphore_mem>>) attributes {dimension_semantics = [#tpu.dimension_semantics<core_parallel>, #tpu.dimension_semantics<subcore_parallel>], iteration_bounds = array<i64: 2, 16>, scalar_prefetch = 0 : i64, scratch_operands = 10 : i64, tpu.core_type = #tpu.core_type<sc_vector_subcore>, window_params = [{transform_indices = #map}, {transform_indices = #map1}, {transform_indices = #map}]} {
    %mul3A = arith.constant 2 : i32
    %mul3A_0 = arith.muli %arg1, %mul3A : i32
    %add3A = arith.addi %mul3A_0, %arg0 : i32
    %mul3A_1 = arith.constant 6656 : i32
    %mul3A_2 = arith.muli %add3A, %mul3A_1 : i32
    "tpu.region"() ({
      %run_scoped3A = tpu.sem_alloc : memref<!tpu.dma_semaphore, #tpu.memory_space<semaphore_mem>>
      %dma_start3A_261 = tpu.memref_slice %arg3[%mul3A_2] : memref<212992xi32, #tpu.memory_space<hbm>> -> memref<6656xi32, #tpu.memory_space<hbm>>
      %dma_start3A_262 = tpu.memref_slice %arg3[%mul3A_2] : memref<212992xi32, #tpu.memory_space<hbm>> -> memref<6656xi32, #tpu.memory_space<hbm>>
      tpu.enqueue_dma source(%dma_start3A_262 : memref<6656xi32, #tpu.memory_space<hbm>>) target(%arg5 : memref<6656xi32, #tpu.memory_space<vmem>>) target_semaphore(%run_scoped3A : memref<!tpu.dma_semaphore, #tpu.memory_space<semaphore_mem>>)
      %dma_wait3A_263 = tpu.memref_slice %arg3[%mul3A_2] : memref<212992xi32, #tpu.memory_space<hbm>> -> memref<6656xi32, #tpu.memory_space<hbm>>
      %dma_wait3A_264 = tpu.memref_slice %arg3[%mul3A_2] : memref<212992xi32, #tpu.memory_space<hbm>> -> memref<6656xi32, #tpu.memory_space<hbm>>
      tpu.wait_dma2 semaphore(%run_scoped3A : memref<!tpu.dma_semaphore, #tpu.memory_space<semaphore_mem>>) src(%dma_wait3A_264 : memref<6656xi32, #tpu.memory_space<hbm>>) dst(%arg5 : memref<6656xi32, #tpu.memory_space<vmem>>)
      tpu.yield
    }) : () -> ()
    %dma_start3A = arith.constant 0 : i32
    %dma_start3A_3 = tpu.memref_slice %arg5[%dma_start3A] : memref<6656xi32, #tpu.memory_space<vmem>> -> memref<512xi32, #tpu.memory_space<vmem>>
    %dma_start3A_4 = arith.constant 0 : i32
    %dma_start3A_5 = arith.constant 0 : i32
    %dma_start3A_6 = tpu.memref_slice %arg2[%dma_start3A_4, %dma_start3A_5] : memref<2609152x32xf32, #tpu.memory_space<hbm>> -> memref<2609152x32xf32, #tpu.memory_space<hbm>>
    tpu.enqueue_indirect_dma source(%dma_start3A_6 : memref<2609152x32xf32, #tpu.memory_space<hbm>>) target(%arg6 : memref<512x32xf32, #tpu.memory_space<vmem>>) offsets(%dma_start3A_3 : memref<512xi32, #tpu.memory_space<vmem>>) semaphore(%arg9 : memref<!tpu.dma_semaphore, #tpu.memory_space<semaphore_mem>>)
    %dma_start3A_7 = arith.constant 512 : i32
    %dma_start3A_8 = tpu.memref_slice %arg5[%dma_start3A_7] : memref<6656xi32, #tpu.memory_space<vmem>> -> memref<512xi32, #tpu.memory_space<vmem>>
    %dma_start3A_9 = arith.constant 0 : i32
    %dma_start3A_10 = arith.constant 0 : i32
    %dma_start3A_11 = tpu.memref_slice %arg2[%dma_start3A_9, %dma_start3A_10] : memref<2609152x32xf32, #tpu.memory_space<hbm>> -> memref<2609152x32xf32, #tpu.memory_space<hbm>>
    tpu.enqueue_indirect_dma source(%dma_start3A_11 : memref<2609152x32xf32, #tpu.memory_space<hbm>>) target(%arg7 : memref<512x32xf32, #tpu.memory_space<vmem>>) offsets(%dma_start3A_8 : memref<512xi32, #tpu.memory_space<vmem>>) semaphore(%arg10 : memref<!tpu.dma_semaphore, #tpu.memory_space<semaphore_mem>>)
    %dma_start3A_12 = arith.constant 1024 : i32
    %dma_start3A_13 = tpu.memref_slice %arg5[%dma_start3A_12] : memref<6656xi32, #tpu.memory_space<vmem>> -> memref<512xi32, #tpu.memory_space<vmem>>
    %dma_start3A_14 = arith.constant 0 : i32
    %dma_start3A_15 = arith.constant 0 : i32
    %dma_start3A_16 = tpu.memref_slice %arg2[%dma_start3A_14, %dma_start3A_15] : memref<2609152x32xf32, #tpu.memory_space<hbm>> -> memref<2609152x32xf32, #tpu.memory_space<hbm>>
    tpu.enqueue_indirect_dma source(%dma_start3A_16 : memref<2609152x32xf32, #tpu.memory_space<hbm>>) target(%arg8 : memref<512x32xf32, #tpu.memory_space<vmem>>) offsets(%dma_start3A_13 : memref<512xi32, #tpu.memory_space<vmem>>) semaphore(%arg11 : memref<!tpu.dma_semaphore, #tpu.memory_space<semaphore_mem>>)
    %dma_wait3A = arith.constant 0 : i32
    %dma_wait3A_17 = tpu.memref_slice %arg5[%dma_wait3A] : memref<6656xi32, #tpu.memory_space<vmem>> -> memref<512xi32, #tpu.memory_space<vmem>>
    %dma_wait3A_18 = arith.constant 0 : i32
    %dma_wait3A_19 = arith.constant 0 : i32
    %dma_wait3A_20 = tpu.memref_slice %arg2[%dma_wait3A_18, %dma_wait3A_19] : memref<2609152x32xf32, #tpu.memory_space<hbm>> -> memref<2609152x32xf32, #tpu.memory_space<hbm>>
    tpu.wait_indirect_dma semaphore(%arg9 : memref<!tpu.dma_semaphore, #tpu.memory_space<semaphore_mem>>) src(%dma_wait3A_20 : memref<2609152x32xf32, #tpu.memory_space<hbm>>) dst(%arg6 : memref<512x32xf32, #tpu.memory_space<vmem>>)
    %add3A_21 = arith.constant 0 : i32
    %add3A_22 = arith.addi %mul3A_2, %add3A_21 : i32
    %dma_start3A_23 = arith.constant 0 : i32
    %dma_start3A_24 = tpu.memref_slice %arg4[%add3A_22, %dma_start3A_23] : memref<212992x32xf32, #tpu.memory_space<hbm>> -> memref<512x32xf32, #tpu.memory_space<hbm>>
    %dma_start3A_25 = arith.constant 0 : i32
    %dma_start3A_26 = tpu.memref_slice %arg4[%add3A_22, %dma_start3A_25] : memref<212992x32xf32, #tpu.memory_space<hbm>> -> memref<512x32xf32, #tpu.memory_space<hbm>>
    tpu.enqueue_dma source(%arg6 : memref<512x32xf32, #tpu.memory_space<vmem>>) target(%dma_start3A_26 : memref<512x32xf32, #tpu.memory_space<hbm>>) target_semaphore(%arg12 : memref<!tpu.dma_semaphore, #tpu.memory_space<semaphore_mem>>)
    %dma_wait3A_27 = arith.constant 0 : i32
    %dma_wait3A_28 = tpu.memref_slice %arg4[%add3A_22, %dma_wait3A_27] : memref<212992x32xf32, #tpu.memory_space<hbm>> -> memref<512x32xf32, #tpu.memory_space<hbm>>
    %dma_wait3A_29 = arith.constant 0 : i32
    %dma_wait3A_30 = tpu.memref_slice %arg4[%add3A_22, %dma_wait3A_29] : memref<212992x32xf32, #tpu.memory_space<hbm>> -> memref<512x32xf32, #tpu.memory_space<hbm>>
    tpu.wait_dma2 semaphore(%arg12 : memref<!tpu.dma_semaphore, #tpu.memory_space<semaphore_mem>>) src(%arg6 : memref<512x32xf32, #tpu.memory_space<vmem>>) dst(%dma_wait3A_30 : memref<512x32xf32, #tpu.memory_space<hbm>>)
    %dma_start3A_31 = arith.constant 1536 : i32
    %dma_start3A_32 = tpu.memref_slice %arg5[%dma_start3A_31] : memref<6656xi32, #tpu.memory_space<vmem>> -> memref<512xi32, #tpu.memory_space<vmem>>
    %dma_start3A_33 = arith.constant 0 : i32
    %dma_start3A_34 = arith.constant 0 : i32
    %dma_start3A_35 = tpu.memref_slice %arg2[%dma_start3A_33, %dma_start3A_34] : memref<2609152x32xf32, #tpu.memory_space<hbm>> -> memref<2609152x32xf32, #tpu.memory_space<hbm>>
    tpu.enqueue_indirect_dma source(%dma_start3A_35 : memref<2609152x32xf32, #tpu.memory_space<hbm>>) target(%arg6 : memref<512x32xf32, #tpu.memory_space<vmem>>) offsets(%dma_start3A_32 : memref<512xi32, #tpu.memory_space<vmem>>) semaphore(%arg9 : memref<!tpu.dma_semaphore, #tpu.memory_space<semaphore_mem>>)
    %dma_wait3A_36 = arith.constant 512 : i32
    %dma_wait3A_37 = tpu.memref_slice %arg5[%dma_wait3A_36] : memref<6656xi32, #tpu.memory_space<vmem>> -> memref<512xi32, #tpu.memory_space<vmem>>
    %dma_wait3A_38 = arith.constant 0 : i32
    %dma_wait3A_39 = arith.constant 0 : i32
    %dma_wait3A_40 = tpu.memref_slice %arg2[%dma_wait3A_38, %dma_wait3A_39] : memref<2609152x32xf32, #tpu.memory_space<hbm>> -> memref<2609152x32xf32, #tpu.memory_space<hbm>>
    tpu.wait_indirect_dma semaphore(%arg10 : memref<!tpu.dma_semaphore, #tpu.memory_space<semaphore_mem>>) src(%dma_wait3A_40 : memref<2609152x32xf32, #tpu.memory_space<hbm>>) dst(%arg7 : memref<512x32xf32, #tpu.memory_space<vmem>>)
    %add3A_41 = arith.constant 512 : i32
    %add3A_42 = arith.addi %mul3A_2, %add3A_41 : i32
    %dma_start3A_43 = arith.constant 0 : i32
    %dma_start3A_44 = tpu.memref_slice %arg4[%add3A_42, %dma_start3A_43] : memref<212992x32xf32, #tpu.memory_space<hbm>> -> memref<512x32xf32, #tpu.memory_space<hbm>>
    %dma_start3A_45 = arith.constant 0 : i32
    %dma_start3A_46 = tpu.memref_slice %arg4[%add3A_42, %dma_start3A_45] : memref<212992x32xf32, #tpu.memory_space<hbm>> -> memref<512x32xf32, #tpu.memory_space<hbm>>
    tpu.enqueue_dma source(%arg7 : memref<512x32xf32, #tpu.memory_space<vmem>>) target(%dma_start3A_46 : memref<512x32xf32, #tpu.memory_space<hbm>>) target_semaphore(%arg13 : memref<!tpu.dma_semaphore, #tpu.memory_space<semaphore_mem>>)
    %dma_wait3A_47 = arith.constant 0 : i32
    %dma_wait3A_48 = tpu.memref_slice %arg4[%add3A_42, %dma_wait3A_47] : memref<212992x32xf32, #tpu.memory_space<hbm>> -> memref<512x32xf32, #tpu.memory_space<hbm>>
    %dma_wait3A_49 = arith.constant 0 : i32
    %dma_wait3A_50 = tpu.memref_slice %arg4[%add3A_42, %dma_wait3A_49] : memref<212992x32xf32, #tpu.memory_space<hbm>> -> memref<512x32xf32, #tpu.memory_space<hbm>>
    tpu.wait_dma2 semaphore(%arg13 : memref<!tpu.dma_semaphore, #tpu.memory_space<semaphore_mem>>) src(%arg7 : memref<512x32xf32, #tpu.memory_space<vmem>>) dst(%dma_wait3A_50 : memref<512x32xf32, #tpu.memory_space<hbm>>)
    %dma_start3A_51 = arith.constant 2048 : i32
    %dma_start3A_52 = tpu.memref_slice %arg5[%dma_start3A_51] : memref<6656xi32, #tpu.memory_space<vmem>> -> memref<512xi32, #tpu.memory_space<vmem>>
    %dma_start3A_53 = arith.constant 0 : i32
    %dma_start3A_54 = arith.constant 0 : i32
    %dma_start3A_55 = tpu.memref_slice %arg2[%dma_start3A_53, %dma_start3A_54] : memref<2609152x32xf32, #tpu.memory_space<hbm>> -> memref<2609152x32xf32, #tpu.memory_space<hbm>>
    tpu.enqueue_indirect_dma source(%dma_start3A_55 : memref<2609152x32xf32, #tpu.memory_space<hbm>>) target(%arg7 : memref<512x32xf32, #tpu.memory_space<vmem>>) offsets(%dma_start3A_52 : memref<512xi32, #tpu.memory_space<vmem>>) semaphore(%arg10 : memref<!tpu.dma_semaphore, #tpu.memory_space<semaphore_mem>>)
    %dma_wait3A_56 = arith.constant 1024 : i32
    %dma_wait3A_57 = tpu.memref_slice %arg5[%dma_wait3A_56] : memref<6656xi32, #tpu.memory_space<vmem>> -> memref<512xi32, #tpu.memory_space<vmem>>
    %dma_wait3A_58 = arith.constant 0 : i32
    %dma_wait3A_59 = arith.constant 0 : i32
    %dma_wait3A_60 = tpu.memref_slice %arg2[%dma_wait3A_58, %dma_wait3A_59] : memref<2609152x32xf32, #tpu.memory_space<hbm>> -> memref<2609152x32xf32, #tpu.memory_space<hbm>>
    tpu.wait_indirect_dma semaphore(%arg11 : memref<!tpu.dma_semaphore, #tpu.memory_space<semaphore_mem>>) src(%dma_wait3A_60 : memref<2609152x32xf32, #tpu.memory_space<hbm>>) dst(%arg8 : memref<512x32xf32, #tpu.memory_space<vmem>>)
    %add3A_61 = arith.constant 1024 : i32
    %add3A_62 = arith.addi %mul3A_2, %add3A_61 : i32
    %dma_start3A_63 = arith.constant 0 : i32
    %dma_start3A_64 = tpu.memref_slice %arg4[%add3A_62, %dma_start3A_63] : memref<212992x32xf32, #tpu.memory_space<hbm>> -> memref<512x32xf32, #tpu.memory_space<hbm>>
    %dma_start3A_65 = arith.constant 0 : i32
    %dma_start3A_66 = tpu.memref_slice %arg4[%add3A_62, %dma_start3A_65] : memref<212992x32xf32, #tpu.memory_space<hbm>> -> memref<512x32xf32, #tpu.memory_space<hbm>>
    tpu.enqueue_dma source(%arg8 : memref<512x32xf32, #tpu.memory_space<vmem>>) target(%dma_start3A_66 : memref<512x32xf32, #tpu.memory_space<hbm>>) target_semaphore(%arg14 : memref<!tpu.dma_semaphore, #tpu.memory_space<semaphore_mem>>)
    %dma_wait3A_67 = arith.constant 0 : i32
    %dma_wait3A_68 = tpu.memref_slice %arg4[%add3A_62, %dma_wait3A_67] : memref<212992x32xf32, #tpu.memory_space<hbm>> -> memref<512x32xf32, #tpu.memory_space<hbm>>
    %dma_wait3A_69 = arith.constant 0 : i32
    %dma_wait3A_70 = tpu.memref_slice %arg4[%add3A_62, %dma_wait3A_69] : memref<212992x32xf32, #tpu.memory_space<hbm>> -> memref<512x32xf32, #tpu.memory_space<hbm>>
    tpu.wait_dma2 semaphore(%arg14 : memref<!tpu.dma_semaphore, #tpu.memory_space<semaphore_mem>>) src(%arg8 : memref<512x32xf32, #tpu.memory_space<vmem>>) dst(%dma_wait3A_70 : memref<512x32xf32, #tpu.memory_space<hbm>>)
    %dma_start3A_71 = arith.constant 2560 : i32
    %dma_start3A_72 = tpu.memref_slice %arg5[%dma_start3A_71] : memref<6656xi32, #tpu.memory_space<vmem>> -> memref<512xi32, #tpu.memory_space<vmem>>
    %dma_start3A_73 = arith.constant 0 : i32
    %dma_start3A_74 = arith.constant 0 : i32
    %dma_start3A_75 = tpu.memref_slice %arg2[%dma_start3A_73, %dma_start3A_74] : memref<2609152x32xf32, #tpu.memory_space<hbm>> -> memref<2609152x32xf32, #tpu.memory_space<hbm>>
    tpu.enqueue_indirect_dma source(%dma_start3A_75 : memref<2609152x32xf32, #tpu.memory_space<hbm>>) target(%arg8 : memref<512x32xf32, #tpu.memory_space<vmem>>) offsets(%dma_start3A_72 : memref<512xi32, #tpu.memory_space<vmem>>) semaphore(%arg11 : memref<!tpu.dma_semaphore, #tpu.memory_space<semaphore_mem>>)
    %dma_wait3A_76 = arith.constant 1536 : i32
    %dma_wait3A_77 = tpu.memref_slice %arg5[%dma_wait3A_76] : memref<6656xi32, #tpu.memory_space<vmem>> -> memref<512xi32, #tpu.memory_space<vmem>>
    %dma_wait3A_78 = arith.constant 0 : i32
    %dma_wait3A_79 = arith.constant 0 : i32
    %dma_wait3A_80 = tpu.memref_slice %arg2[%dma_wait3A_78, %dma_wait3A_79] : memref<2609152x32xf32, #tpu.memory_space<hbm>> -> memref<2609152x32xf32, #tpu.memory_space<hbm>>
    tpu.wait_indirect_dma semaphore(%arg9 : memref<!tpu.dma_semaphore, #tpu.memory_space<semaphore_mem>>) src(%dma_wait3A_80 : memref<2609152x32xf32, #tpu.memory_space<hbm>>) dst(%arg6 : memref<512x32xf32, #tpu.memory_space<vmem>>)
    %add3A_81 = arith.constant 1536 : i32
    %add3A_82 = arith.addi %mul3A_2, %add3A_81 : i32
    %dma_start3A_83 = arith.constant 0 : i32
    %dma_start3A_84 = tpu.memref_slice %arg4[%add3A_82, %dma_start3A_83] : memref<212992x32xf32, #tpu.memory_space<hbm>> -> memref<512x32xf32, #tpu.memory_space<hbm>>
    %dma_start3A_85 = arith.constant 0 : i32
    %dma_start3A_86 = tpu.memref_slice %arg4[%add3A_82, %dma_start3A_85] : memref<212992x32xf32, #tpu.memory_space<hbm>> -> memref<512x32xf32, #tpu.memory_space<hbm>>
    tpu.enqueue_dma source(%arg6 : memref<512x32xf32, #tpu.memory_space<vmem>>) target(%dma_start3A_86 : memref<512x32xf32, #tpu.memory_space<hbm>>) target_semaphore(%arg12 : memref<!tpu.dma_semaphore, #tpu.memory_space<semaphore_mem>>)
    %dma_wait3A_87 = arith.constant 0 : i32
    %dma_wait3A_88 = tpu.memref_slice %arg4[%add3A_82, %dma_wait3A_87] : memref<212992x32xf32, #tpu.memory_space<hbm>> -> memref<512x32xf32, #tpu.memory_space<hbm>>
    %dma_wait3A_89 = arith.constant 0 : i32
    %dma_wait3A_90 = tpu.memref_slice %arg4[%add3A_82, %dma_wait3A_89] : memref<212992x32xf32, #tpu.memory_space<hbm>> -> memref<512x32xf32, #tpu.memory_space<hbm>>
    tpu.wait_dma2 semaphore(%arg12 : memref<!tpu.dma_semaphore, #tpu.memory_space<semaphore_mem>>) src(%arg6 : memref<512x32xf32, #tpu.memory_space<vmem>>) dst(%dma_wait3A_90 : memref<512x32xf32, #tpu.memory_space<hbm>>)
    %dma_start3A_91 = arith.constant 3072 : i32
    %dma_start3A_92 = tpu.memref_slice %arg5[%dma_start3A_91] : memref<6656xi32, #tpu.memory_space<vmem>> -> memref<512xi32, #tpu.memory_space<vmem>>
    %dma_start3A_93 = arith.constant 0 : i32
    %dma_start3A_94 = arith.constant 0 : i32
    %dma_start3A_95 = tpu.memref_slice %arg2[%dma_start3A_93, %dma_start3A_94] : memref<2609152x32xf32, #tpu.memory_space<hbm>> -> memref<2609152x32xf32, #tpu.memory_space<hbm>>
    tpu.enqueue_indirect_dma source(%dma_start3A_95 : memref<2609152x32xf32, #tpu.memory_space<hbm>>) target(%arg6 : memref<512x32xf32, #tpu.memory_space<vmem>>) offsets(%dma_start3A_92 : memref<512xi32, #tpu.memory_space<vmem>>) semaphore(%arg9 : memref<!tpu.dma_semaphore, #tpu.memory_space<semaphore_mem>>)
    %dma_wait3A_96 = arith.constant 2048 : i32
    %dma_wait3A_97 = tpu.memref_slice %arg5[%dma_wait3A_96] : memref<6656xi32, #tpu.memory_space<vmem>> -> memref<512xi32, #tpu.memory_space<vmem>>
    %dma_wait3A_98 = arith.constant 0 : i32
    %dma_wait3A_99 = arith.constant 0 : i32
    %dma_wait3A_100 = tpu.memref_slice %arg2[%dma_wait3A_98, %dma_wait3A_99] : memref<2609152x32xf32, #tpu.memory_space<hbm>> -> memref<2609152x32xf32, #tpu.memory_space<hbm>>
    tpu.wait_indirect_dma semaphore(%arg10 : memref<!tpu.dma_semaphore, #tpu.memory_space<semaphore_mem>>) src(%dma_wait3A_100 : memref<2609152x32xf32, #tpu.memory_space<hbm>>) dst(%arg7 : memref<512x32xf32, #tpu.memory_space<vmem>>)
    %add3A_101 = arith.constant 2048 : i32
    %add3A_102 = arith.addi %mul3A_2, %add3A_101 : i32
    %dma_start3A_103 = arith.constant 0 : i32
    %dma_start3A_104 = tpu.memref_slice %arg4[%add3A_102, %dma_start3A_103] : memref<212992x32xf32, #tpu.memory_space<hbm>> -> memref<512x32xf32, #tpu.memory_space<hbm>>
    %dma_start3A_105 = arith.constant 0 : i32
    %dma_start3A_106 = tpu.memref_slice %arg4[%add3A_102, %dma_start3A_105] : memref<212992x32xf32, #tpu.memory_space<hbm>> -> memref<512x32xf32, #tpu.memory_space<hbm>>
    tpu.enqueue_dma source(%arg7 : memref<512x32xf32, #tpu.memory_space<vmem>>) target(%dma_start3A_106 : memref<512x32xf32, #tpu.memory_space<hbm>>) target_semaphore(%arg13 : memref<!tpu.dma_semaphore, #tpu.memory_space<semaphore_mem>>)
    %dma_wait3A_107 = arith.constant 0 : i32
    %dma_wait3A_108 = tpu.memref_slice %arg4[%add3A_102, %dma_wait3A_107] : memref<212992x32xf32, #tpu.memory_space<hbm>> -> memref<512x32xf32, #tpu.memory_space<hbm>>
    %dma_wait3A_109 = arith.constant 0 : i32
    %dma_wait3A_110 = tpu.memref_slice %arg4[%add3A_102, %dma_wait3A_109] : memref<212992x32xf32, #tpu.memory_space<hbm>> -> memref<512x32xf32, #tpu.memory_space<hbm>>
    tpu.wait_dma2 semaphore(%arg13 : memref<!tpu.dma_semaphore, #tpu.memory_space<semaphore_mem>>) src(%arg7 : memref<512x32xf32, #tpu.memory_space<vmem>>) dst(%dma_wait3A_110 : memref<512x32xf32, #tpu.memory_space<hbm>>)
    %dma_start3A_111 = arith.constant 3584 : i32
    %dma_start3A_112 = tpu.memref_slice %arg5[%dma_start3A_111] : memref<6656xi32, #tpu.memory_space<vmem>> -> memref<512xi32, #tpu.memory_space<vmem>>
    %dma_start3A_113 = arith.constant 0 : i32
    %dma_start3A_114 = arith.constant 0 : i32
    %dma_start3A_115 = tpu.memref_slice %arg2[%dma_start3A_113, %dma_start3A_114] : memref<2609152x32xf32, #tpu.memory_space<hbm>> -> memref<2609152x32xf32, #tpu.memory_space<hbm>>
    tpu.enqueue_indirect_dma source(%dma_start3A_115 : memref<2609152x32xf32, #tpu.memory_space<hbm>>) target(%arg7 : memref<512x32xf32, #tpu.memory_space<vmem>>) offsets(%dma_start3A_112 : memref<512xi32, #tpu.memory_space<vmem>>) semaphore(%arg10 : memref<!tpu.dma_semaphore, #tpu.memory_space<semaphore_mem>>)
    %dma_wait3A_116 = arith.constant 2560 : i32
    %dma_wait3A_117 = tpu.memref_slice %arg5[%dma_wait3A_116] : memref<6656xi32, #tpu.memory_space<vmem>> -> memref<512xi32, #tpu.memory_space<vmem>>
    %dma_wait3A_118 = arith.constant 0 : i32
    %dma_wait3A_119 = arith.constant 0 : i32
    %dma_wait3A_120 = tpu.memref_slice %arg2[%dma_wait3A_118, %dma_wait3A_119] : memref<2609152x32xf32, #tpu.memory_space<hbm>> -> memref<2609152x32xf32, #tpu.memory_space<hbm>>
    tpu.wait_indirect_dma semaphore(%arg11 : memref<!tpu.dma_semaphore, #tpu.memory_space<semaphore_mem>>) src(%dma_wait3A_120 : memref<2609152x32xf32, #tpu.memory_space<hbm>>) dst(%arg8 : memref<512x32xf32, #tpu.memory_space<vmem>>)
    %add3A_121 = arith.constant 2560 : i32
    %add3A_122 = arith.addi %mul3A_2, %add3A_121 : i32
    %dma_start3A_123 = arith.constant 0 : i32
    %dma_start3A_124 = tpu.memref_slice %arg4[%add3A_122, %dma_start3A_123] : memref<212992x32xf32, #tpu.memory_space<hbm>> -> memref<512x32xf32, #tpu.memory_space<hbm>>
    %dma_start3A_125 = arith.constant 0 : i32
    %dma_start3A_126 = tpu.memref_slice %arg4[%add3A_122, %dma_start3A_125] : memref<212992x32xf32, #tpu.memory_space<hbm>> -> memref<512x32xf32, #tpu.memory_space<hbm>>
    tpu.enqueue_dma source(%arg8 : memref<512x32xf32, #tpu.memory_space<vmem>>) target(%dma_start3A_126 : memref<512x32xf32, #tpu.memory_space<hbm>>) target_semaphore(%arg14 : memref<!tpu.dma_semaphore, #tpu.memory_space<semaphore_mem>>)
    %dma_wait3A_127 = arith.constant 0 : i32
    %dma_wait3A_128 = tpu.memref_slice %arg4[%add3A_122, %dma_wait3A_127] : memref<212992x32xf32, #tpu.memory_space<hbm>> -> memref<512x32xf32, #tpu.memory_space<hbm>>
    %dma_wait3A_129 = arith.constant 0 : i32
    %dma_wait3A_130 = tpu.memref_slice %arg4[%add3A_122, %dma_wait3A_129] : memref<212992x32xf32, #tpu.memory_space<hbm>> -> memref<512x32xf32, #tpu.memory_space<hbm>>
    tpu.wait_dma2 semaphore(%arg14 : memref<!tpu.dma_semaphore, #tpu.memory_space<semaphore_mem>>) src(%arg8 : memref<512x32xf32, #tpu.memory_space<vmem>>) dst(%dma_wait3A_130 : memref<512x32xf32, #tpu.memory_space<hbm>>)
    %dma_start3A_131 = arith.constant 4096 : i32
    %dma_start3A_132 = tpu.memref_slice %arg5[%dma_start3A_131] : memref<6656xi32, #tpu.memory_space<vmem>> -> memref<512xi32, #tpu.memory_space<vmem>>
    %dma_start3A_133 = arith.constant 0 : i32
    %dma_start3A_134 = arith.constant 0 : i32
    %dma_start3A_135 = tpu.memref_slice %arg2[%dma_start3A_133, %dma_start3A_134] : memref<2609152x32xf32, #tpu.memory_space<hbm>> -> memref<2609152x32xf32, #tpu.memory_space<hbm>>
    tpu.enqueue_indirect_dma source(%dma_start3A_135 : memref<2609152x32xf32, #tpu.memory_space<hbm>>) target(%arg8 : memref<512x32xf32, #tpu.memory_space<vmem>>) offsets(%dma_start3A_132 : memref<512xi32, #tpu.memory_space<vmem>>) semaphore(%arg11 : memref<!tpu.dma_semaphore, #tpu.memory_space<semaphore_mem>>)
    %dma_wait3A_136 = arith.constant 3072 : i32
    %dma_wait3A_137 = tpu.memref_slice %arg5[%dma_wait3A_136] : memref<6656xi32, #tpu.memory_space<vmem>> -> memref<512xi32, #tpu.memory_space<vmem>>
    %dma_wait3A_138 = arith.constant 0 : i32
    %dma_wait3A_139 = arith.constant 0 : i32
    %dma_wait3A_140 = tpu.memref_slice %arg2[%dma_wait3A_138, %dma_wait3A_139] : memref<2609152x32xf32, #tpu.memory_space<hbm>> -> memref<2609152x32xf32, #tpu.memory_space<hbm>>
    tpu.wait_indirect_dma semaphore(%arg9 : memref<!tpu.dma_semaphore, #tpu.memory_space<semaphore_mem>>) src(%dma_wait3A_140 : memref<2609152x32xf32, #tpu.memory_space<hbm>>) dst(%arg6 : memref<512x32xf32, #tpu.memory_space<vmem>>)
    %add3A_141 = arith.constant 3072 : i32
    %add3A_142 = arith.addi %mul3A_2, %add3A_141 : i32
    %dma_start3A_143 = arith.constant 0 : i32
    %dma_start3A_144 = tpu.memref_slice %arg4[%add3A_142, %dma_start3A_143] : memref<212992x32xf32, #tpu.memory_space<hbm>> -> memref<512x32xf32, #tpu.memory_space<hbm>>
    %dma_start3A_145 = arith.constant 0 : i32
    %dma_start3A_146 = tpu.memref_slice %arg4[%add3A_142, %dma_start3A_145] : memref<212992x32xf32, #tpu.memory_space<hbm>> -> memref<512x32xf32, #tpu.memory_space<hbm>>
    tpu.enqueue_dma source(%arg6 : memref<512x32xf32, #tpu.memory_space<vmem>>) target(%dma_start3A_146 : memref<512x32xf32, #tpu.memory_space<hbm>>) target_semaphore(%arg12 : memref<!tpu.dma_semaphore, #tpu.memory_space<semaphore_mem>>)
    %dma_wait3A_147 = arith.constant 0 : i32
    %dma_wait3A_148 = tpu.memref_slice %arg4[%add3A_142, %dma_wait3A_147] : memref<212992x32xf32, #tpu.memory_space<hbm>> -> memref<512x32xf32, #tpu.memory_space<hbm>>
    %dma_wait3A_149 = arith.constant 0 : i32
    %dma_wait3A_150 = tpu.memref_slice %arg4[%add3A_142, %dma_wait3A_149] : memref<212992x32xf32, #tpu.memory_space<hbm>> -> memref<512x32xf32, #tpu.memory_space<hbm>>
    tpu.wait_dma2 semaphore(%arg12 : memref<!tpu.dma_semaphore, #tpu.memory_space<semaphore_mem>>) src(%arg6 : memref<512x32xf32, #tpu.memory_space<vmem>>) dst(%dma_wait3A_150 : memref<512x32xf32, #tpu.memory_space<hbm>>)
    %dma_start3A_151 = arith.constant 4608 : i32
    %dma_start3A_152 = tpu.memref_slice %arg5[%dma_start3A_151] : memref<6656xi32, #tpu.memory_space<vmem>> -> memref<512xi32, #tpu.memory_space<vmem>>
    %dma_start3A_153 = arith.constant 0 : i32
    %dma_start3A_154 = arith.constant 0 : i32
    %dma_start3A_155 = tpu.memref_slice %arg2[%dma_start3A_153, %dma_start3A_154] : memref<2609152x32xf32, #tpu.memory_space<hbm>> -> memref<2609152x32xf32, #tpu.memory_space<hbm>>
    tpu.enqueue_indirect_dma source(%dma_start3A_155 : memref<2609152x32xf32, #tpu.memory_space<hbm>>) target(%arg6 : memref<512x32xf32, #tpu.memory_space<vmem>>) offsets(%dma_start3A_152 : memref<512xi32, #tpu.memory_space<vmem>>) semaphore(%arg9 : memref<!tpu.dma_semaphore, #tpu.memory_space<semaphore_mem>>)
    %dma_wait3A_156 = arith.constant 3584 : i32
    %dma_wait3A_157 = tpu.memref_slice %arg5[%dma_wait3A_156] : memref<6656xi32, #tpu.memory_space<vmem>> -> memref<512xi32, #tpu.memory_space<vmem>>
    %dma_wait3A_158 = arith.constant 0 : i32
    %dma_wait3A_159 = arith.constant 0 : i32
    %dma_wait3A_160 = tpu.memref_slice %arg2[%dma_wait3A_158, %dma_wait3A_159] : memref<2609152x32xf32, #tpu.memory_space<hbm>> -> memref<2609152x32xf32, #tpu.memory_space<hbm>>
    tpu.wait_indirect_dma semaphore(%arg10 : memref<!tpu.dma_semaphore, #tpu.memory_space<semaphore_mem>>) src(%dma_wait3A_160 : memref<2609152x32xf32, #tpu.memory_space<hbm>>) dst(%arg7 : memref<512x32xf32, #tpu.memory_space<vmem>>)
    %add3A_161 = arith.constant 3584 : i32
    %add3A_162 = arith.addi %mul3A_2, %add3A_161 : i32
    %dma_start3A_163 = arith.constant 0 : i32
    %dma_start3A_164 = tpu.memref_slice %arg4[%add3A_162, %dma_start3A_163] : memref<212992x32xf32, #tpu.memory_space<hbm>> -> memref<512x32xf32, #tpu.memory_space<hbm>>
    %dma_start3A_165 = arith.constant 0 : i32
    %dma_start3A_166 = tpu.memref_slice %arg4[%add3A_162, %dma_start3A_165] : memref<212992x32xf32, #tpu.memory_space<hbm>> -> memref<512x32xf32, #tpu.memory_space<hbm>>
    tpu.enqueue_dma source(%arg7 : memref<512x32xf32, #tpu.memory_space<vmem>>) target(%dma_start3A_166 : memref<512x32xf32, #tpu.memory_space<hbm>>) target_semaphore(%arg13 : memref<!tpu.dma_semaphore, #tpu.memory_space<semaphore_mem>>)
    %dma_wait3A_167 = arith.constant 0 : i32
    %dma_wait3A_168 = tpu.memref_slice %arg4[%add3A_162, %dma_wait3A_167] : memref<212992x32xf32, #tpu.memory_space<hbm>> -> memref<512x32xf32, #tpu.memory_space<hbm>>
    %dma_wait3A_169 = arith.constant 0 : i32
    %dma_wait3A_170 = tpu.memref_slice %arg4[%add3A_162, %dma_wait3A_169] : memref<212992x32xf32, #tpu.memory_space<hbm>> -> memref<512x32xf32, #tpu.memory_space<hbm>>
    tpu.wait_dma2 semaphore(%arg13 : memref<!tpu.dma_semaphore, #tpu.memory_space<semaphore_mem>>) src(%arg7 : memref<512x32xf32, #tpu.memory_space<vmem>>) dst(%dma_wait3A_170 : memref<512x32xf32, #tpu.memory_space<hbm>>)
    %dma_start3A_171 = arith.constant 5120 : i32
    %dma_start3A_172 = tpu.memref_slice %arg5[%dma_start3A_171] : memref<6656xi32, #tpu.memory_space<vmem>> -> memref<512xi32, #tpu.memory_space<vmem>>
    %dma_start3A_173 = arith.constant 0 : i32
    %dma_start3A_174 = arith.constant 0 : i32
    %dma_start3A_175 = tpu.memref_slice %arg2[%dma_start3A_173, %dma_start3A_174] : memref<2609152x32xf32, #tpu.memory_space<hbm>> -> memref<2609152x32xf32, #tpu.memory_space<hbm>>
    tpu.enqueue_indirect_dma source(%dma_start3A_175 : memref<2609152x32xf32, #tpu.memory_space<hbm>>) target(%arg7 : memref<512x32xf32, #tpu.memory_space<vmem>>) offsets(%dma_start3A_172 : memref<512xi32, #tpu.memory_space<vmem>>) semaphore(%arg10 : memref<!tpu.dma_semaphore, #tpu.memory_space<semaphore_mem>>)
    %dma_wait3A_176 = arith.constant 4096 : i32
    %dma_wait3A_177 = tpu.memref_slice %arg5[%dma_wait3A_176] : memref<6656xi32, #tpu.memory_space<vmem>> -> memref<512xi32, #tpu.memory_space<vmem>>
    %dma_wait3A_178 = arith.constant 0 : i32
    %dma_wait3A_179 = arith.constant 0 : i32
    %dma_wait3A_180 = tpu.memref_slice %arg2[%dma_wait3A_178, %dma_wait3A_179] : memref<2609152x32xf32, #tpu.memory_space<hbm>> -> memref<2609152x32xf32, #tpu.memory_space<hbm>>
    tpu.wait_indirect_dma semaphore(%arg11 : memref<!tpu.dma_semaphore, #tpu.memory_space<semaphore_mem>>) src(%dma_wait3A_180 : memref<2609152x32xf32, #tpu.memory_space<hbm>>) dst(%arg8 : memref<512x32xf32, #tpu.memory_space<vmem>>)
    %add3A_181 = arith.constant 4096 : i32
    %add3A_182 = arith.addi %mul3A_2, %add3A_181 : i32
    %dma_start3A_183 = arith.constant 0 : i32
    %dma_start3A_184 = tpu.memref_slice %arg4[%add3A_182, %dma_start3A_183] : memref<212992x32xf32, #tpu.memory_space<hbm>> -> memref<512x32xf32, #tpu.memory_space<hbm>>
    %dma_start3A_185 = arith.constant 0 : i32
    %dma_start3A_186 = tpu.memref_slice %arg4[%add3A_182, %dma_start3A_185] : memref<212992x32xf32, #tpu.memory_space<hbm>> -> memref<512x32xf32, #tpu.memory_space<hbm>>
    tpu.enqueue_dma source(%arg8 : memref<512x32xf32, #tpu.memory_space<vmem>>) target(%dma_start3A_186 : memref<512x32xf32, #tpu.memory_space<hbm>>) target_semaphore(%arg14 : memref<!tpu.dma_semaphore, #tpu.memory_space<semaphore_mem>>)
    %dma_wait3A_187 = arith.constant 0 : i32
    %dma_wait3A_188 = tpu.memref_slice %arg4[%add3A_182, %dma_wait3A_187] : memref<212992x32xf32, #tpu.memory_space<hbm>> -> memref<512x32xf32, #tpu.memory_space<hbm>>
    %dma_wait3A_189 = arith.constant 0 : i32
    %dma_wait3A_190 = tpu.memref_slice %arg4[%add3A_182, %dma_wait3A_189] : memref<212992x32xf32, #tpu.memory_space<hbm>> -> memref<512x32xf32, #tpu.memory_space<hbm>>
    tpu.wait_dma2 semaphore(%arg14 : memref<!tpu.dma_semaphore, #tpu.memory_space<semaphore_mem>>) src(%arg8 : memref<512x32xf32, #tpu.memory_space<vmem>>) dst(%dma_wait3A_190 : memref<512x32xf32, #tpu.memory_space<hbm>>)
    %dma_start3A_191 = arith.constant 5632 : i32
    %dma_start3A_192 = tpu.memref_slice %arg5[%dma_start3A_191] : memref<6656xi32, #tpu.memory_space<vmem>> -> memref<512xi32, #tpu.memory_space<vmem>>
    %dma_start3A_193 = arith.constant 0 : i32
    %dma_start3A_194 = arith.constant 0 : i32
    %dma_start3A_195 = tpu.memref_slice %arg2[%dma_start3A_193, %dma_start3A_194] : memref<2609152x32xf32, #tpu.memory_space<hbm>> -> memref<2609152x32xf32, #tpu.memory_space<hbm>>
    tpu.enqueue_indirect_dma source(%dma_start3A_195 : memref<2609152x32xf32, #tpu.memory_space<hbm>>) target(%arg8 : memref<512x32xf32, #tpu.memory_space<vmem>>) offsets(%dma_start3A_192 : memref<512xi32, #tpu.memory_space<vmem>>) semaphore(%arg11 : memref<!tpu.dma_semaphore, #tpu.memory_space<semaphore_mem>>)
    %dma_wait3A_196 = arith.constant 4608 : i32
    %dma_wait3A_197 = tpu.memref_slice %arg5[%dma_wait3A_196] : memref<6656xi32, #tpu.memory_space<vmem>> -> memref<512xi32, #tpu.memory_space<vmem>>
    %dma_wait3A_198 = arith.constant 0 : i32
    %dma_wait3A_199 = arith.constant 0 : i32
    %dma_wait3A_200 = tpu.memref_slice %arg2[%dma_wait3A_198, %dma_wait3A_199] : memref<2609152x32xf32, #tpu.memory_space<hbm>> -> memref<2609152x32xf32, #tpu.memory_space<hbm>>
    tpu.wait_indirect_dma semaphore(%arg9 : memref<!tpu.dma_semaphore, #tpu.memory_space<semaphore_mem>>) src(%dma_wait3A_200 : memref<2609152x32xf32, #tpu.memory_space<hbm>>) dst(%arg6 : memref<512x32xf32, #tpu.memory_space<vmem>>)
    %add3A_201 = arith.constant 4608 : i32
    %add3A_202 = arith.addi %mul3A_2, %add3A_201 : i32
    %dma_start3A_203 = arith.constant 0 : i32
    %dma_start3A_204 = tpu.memref_slice %arg4[%add3A_202, %dma_start3A_203] : memref<212992x32xf32, #tpu.memory_space<hbm>> -> memref<512x32xf32, #tpu.memory_space<hbm>>
    %dma_start3A_205 = arith.constant 0 : i32
    %dma_start3A_206 = tpu.memref_slice %arg4[%add3A_202, %dma_start3A_205] : memref<212992x32xf32, #tpu.memory_space<hbm>> -> memref<512x32xf32, #tpu.memory_space<hbm>>
    tpu.enqueue_dma source(%arg6 : memref<512x32xf32, #tpu.memory_space<vmem>>) target(%dma_start3A_206 : memref<512x32xf32, #tpu.memory_space<hbm>>) target_semaphore(%arg12 : memref<!tpu.dma_semaphore, #tpu.memory_space<semaphore_mem>>)
    %dma_wait3A_207 = arith.constant 0 : i32
    %dma_wait3A_208 = tpu.memref_slice %arg4[%add3A_202, %dma_wait3A_207] : memref<212992x32xf32, #tpu.memory_space<hbm>> -> memref<512x32xf32, #tpu.memory_space<hbm>>
    %dma_wait3A_209 = arith.constant 0 : i32
    %dma_wait3A_210 = tpu.memref_slice %arg4[%add3A_202, %dma_wait3A_209] : memref<212992x32xf32, #tpu.memory_space<hbm>> -> memref<512x32xf32, #tpu.memory_space<hbm>>
    tpu.wait_dma2 semaphore(%arg12 : memref<!tpu.dma_semaphore, #tpu.memory_space<semaphore_mem>>) src(%arg6 : memref<512x32xf32, #tpu.memory_space<vmem>>) dst(%dma_wait3A_210 : memref<512x32xf32, #tpu.memory_space<hbm>>)
    %dma_start3A_211 = arith.constant 6144 : i32
    %dma_start3A_212 = tpu.memref_slice %arg5[%dma_start3A_211] : memref<6656xi32, #tpu.memory_space<vmem>> -> memref<512xi32, #tpu.memory_space<vmem>>
    %dma_start3A_213 = arith.constant 0 : i32
    %dma_start3A_214 = arith.constant 0 : i32
    %dma_start3A_215 = tpu.memref_slice %arg2[%dma_start3A_213, %dma_start3A_214] : memref<2609152x32xf32, #tpu.memory_space<hbm>> -> memref<2609152x32xf32, #tpu.memory_space<hbm>>
    tpu.enqueue_indirect_dma source(%dma_start3A_215 : memref<2609152x32xf32, #tpu.memory_space<hbm>>) target(%arg6 : memref<512x32xf32, #tpu.memory_space<vmem>>) offsets(%dma_start3A_212 : memref<512xi32, #tpu.memory_space<vmem>>) semaphore(%arg9 : memref<!tpu.dma_semaphore, #tpu.memory_space<semaphore_mem>>)
    %dma_wait3A_216 = arith.constant 5120 : i32
    %dma_wait3A_217 = tpu.memref_slice %arg5[%dma_wait3A_216] : memref<6656xi32, #tpu.memory_space<vmem>> -> memref<512xi32, #tpu.memory_space<vmem>>
    %dma_wait3A_218 = arith.constant 0 : i32
    %dma_wait3A_219 = arith.constant 0 : i32
    %dma_wait3A_220 = tpu.memref_slice %arg2[%dma_wait3A_218, %dma_wait3A_219] : memref<2609152x32xf32, #tpu.memory_space<hbm>> -> memref<2609152x32xf32, #tpu.memory_space<hbm>>
    tpu.wait_indirect_dma semaphore(%arg10 : memref<!tpu.dma_semaphore, #tpu.memory_space<semaphore_mem>>) src(%dma_wait3A_220 : memref<2609152x32xf32, #tpu.memory_space<hbm>>) dst(%arg7 : memref<512x32xf32, #tpu.memory_space<vmem>>)
    %add3A_221 = arith.constant 5120 : i32
    %add3A_222 = arith.addi %mul3A_2, %add3A_221 : i32
    %dma_start3A_223 = arith.constant 0 : i32
    %dma_start3A_224 = tpu.memref_slice %arg4[%add3A_222, %dma_start3A_223] : memref<212992x32xf32, #tpu.memory_space<hbm>> -> memref<512x32xf32, #tpu.memory_space<hbm>>
    %dma_start3A_225 = arith.constant 0 : i32
    %dma_start3A_226 = tpu.memref_slice %arg4[%add3A_222, %dma_start3A_225] : memref<212992x32xf32, #tpu.memory_space<hbm>> -> memref<512x32xf32, #tpu.memory_space<hbm>>
    tpu.enqueue_dma source(%arg7 : memref<512x32xf32, #tpu.memory_space<vmem>>) target(%dma_start3A_226 : memref<512x32xf32, #tpu.memory_space<hbm>>) target_semaphore(%arg13 : memref<!tpu.dma_semaphore, #tpu.memory_space<semaphore_mem>>)
    %dma_wait3A_227 = arith.constant 5632 : i32
    %dma_wait3A_228 = tpu.memref_slice %arg5[%dma_wait3A_227] : memref<6656xi32, #tpu.memory_space<vmem>> -> memref<512xi32, #tpu.memory_space<vmem>>
    %dma_wait3A_229 = arith.constant 0 : i32
    %dma_wait3A_230 = arith.constant 0 : i32
    %dma_wait3A_231 = tpu.memref_slice %arg2[%dma_wait3A_229, %dma_wait3A_230] : memref<2609152x32xf32, #tpu.memory_space<hbm>> -> memref<2609152x32xf32, #tpu.memory_space<hbm>>
    tpu.wait_indirect_dma semaphore(%arg11 : memref<!tpu.dma_semaphore, #tpu.memory_space<semaphore_mem>>) src(%dma_wait3A_231 : memref<2609152x32xf32, #tpu.memory_space<hbm>>) dst(%arg8 : memref<512x32xf32, #tpu.memory_space<vmem>>)
    %add3A_232 = arith.constant 5632 : i32
    %add3A_233 = arith.addi %mul3A_2, %add3A_232 : i32
    %dma_start3A_234 = arith.constant 0 : i32
    %dma_start3A_235 = tpu.memref_slice %arg4[%add3A_233, %dma_start3A_234] : memref<212992x32xf32, #tpu.memory_space<hbm>> -> memref<512x32xf32, #tpu.memory_space<hbm>>
    %dma_start3A_236 = arith.constant 0 : i32
    %dma_start3A_237 = tpu.memref_slice %arg4[%add3A_233, %dma_start3A_236] : memref<212992x32xf32, #tpu.memory_space<hbm>> -> memref<512x32xf32, #tpu.memory_space<hbm>>
    tpu.enqueue_dma source(%arg8 : memref<512x32xf32, #tpu.memory_space<vmem>>) target(%dma_start3A_237 : memref<512x32xf32, #tpu.memory_space<hbm>>) target_semaphore(%arg14 : memref<!tpu.dma_semaphore, #tpu.memory_space<semaphore_mem>>)
    %dma_wait3A_238 = arith.constant 6144 : i32
    %dma_wait3A_239 = tpu.memref_slice %arg5[%dma_wait3A_238] : memref<6656xi32, #tpu.memory_space<vmem>> -> memref<512xi32, #tpu.memory_space<vmem>>
    %dma_wait3A_240 = arith.constant 0 : i32
    %dma_wait3A_241 = arith.constant 0 : i32
    %dma_wait3A_242 = tpu.memref_slice %arg2[%dma_wait3A_240, %dma_wait3A_241] : memref<2609152x32xf32, #tpu.memory_space<hbm>> -> memref<2609152x32xf32, #tpu.memory_space<hbm>>
    tpu.wait_indirect_dma semaphore(%arg9 : memref<!tpu.dma_semaphore, #tpu.memory_space<semaphore_mem>>) src(%dma_wait3A_242 : memref<2609152x32xf32, #tpu.memory_space<hbm>>) dst(%arg6 : memref<512x32xf32, #tpu.memory_space<vmem>>)
    %add3A_243 = arith.constant 6144 : i32
    %add3A_244 = arith.addi %mul3A_2, %add3A_243 : i32
    %dma_start3A_245 = arith.constant 0 : i32
    %dma_start3A_246 = tpu.memref_slice %arg4[%add3A_244, %dma_start3A_245] : memref<212992x32xf32, #tpu.memory_space<hbm>> -> memref<512x32xf32, #tpu.memory_space<hbm>>
    %dma_start3A_247 = arith.constant 0 : i32
    %dma_start3A_248 = tpu.memref_slice %arg4[%add3A_244, %dma_start3A_247] : memref<212992x32xf32, #tpu.memory_space<hbm>> -> memref<512x32xf32, #tpu.memory_space<hbm>>
    tpu.enqueue_dma source(%arg6 : memref<512x32xf32, #tpu.memory_space<vmem>>) target(%dma_start3A_248 : memref<512x32xf32, #tpu.memory_space<hbm>>) target_semaphore(%arg12 : memref<!tpu.dma_semaphore, #tpu.memory_space<semaphore_mem>>)
    %dma_wait3A_249 = arith.constant 0 : i32
    %dma_wait3A_250 = tpu.memref_slice %arg4[%add3A_244, %dma_wait3A_249] : memref<212992x32xf32, #tpu.memory_space<hbm>> -> memref<512x32xf32, #tpu.memory_space<hbm>>
    %dma_wait3A_251 = arith.constant 0 : i32
    %dma_wait3A_252 = tpu.memref_slice %arg4[%add3A_244, %dma_wait3A_251] : memref<212992x32xf32, #tpu.memory_space<hbm>> -> memref<512x32xf32, #tpu.memory_space<hbm>>
    tpu.wait_dma2 semaphore(%arg12 : memref<!tpu.dma_semaphore, #tpu.memory_space<semaphore_mem>>) src(%arg6 : memref<512x32xf32, #tpu.memory_space<vmem>>) dst(%dma_wait3A_252 : memref<512x32xf32, #tpu.memory_space<hbm>>)
    %dma_wait3A_253 = arith.constant 0 : i32
    %dma_wait3A_254 = tpu.memref_slice %arg4[%add3A_222, %dma_wait3A_253] : memref<212992x32xf32, #tpu.memory_space<hbm>> -> memref<512x32xf32, #tpu.memory_space<hbm>>
    %dma_wait3A_255 = arith.constant 0 : i32
    %dma_wait3A_256 = tpu.memref_slice %arg4[%add3A_222, %dma_wait3A_255] : memref<212992x32xf32, #tpu.memory_space<hbm>> -> memref<512x32xf32, #tpu.memory_space<hbm>>
    tpu.wait_dma2 semaphore(%arg13 : memref<!tpu.dma_semaphore, #tpu.memory_space<semaphore_mem>>) src(%arg7 : memref<512x32xf32, #tpu.memory_space<vmem>>) dst(%dma_wait3A_256 : memref<512x32xf32, #tpu.memory_space<hbm>>)
    %dma_wait3A_257 = arith.constant 0 : i32
    %dma_wait3A_258 = tpu.memref_slice %arg4[%add3A_233, %dma_wait3A_257] : memref<212992x32xf32, #tpu.memory_space<hbm>> -> memref<512x32xf32, #tpu.memory_space<hbm>>
    %dma_wait3A_259 = arith.constant 0 : i32
    %dma_wait3A_260 = tpu.memref_slice %arg4[%add3A_233, %dma_wait3A_259] : memref<212992x32xf32, #tpu.memory_space<hbm>> -> memref<512x32xf32, #tpu.memory_space<hbm>>
    tpu.wait_dma2 semaphore(%arg14 : memref<!tpu.dma_semaphore, #tpu.memory_space<semaphore_mem>>) src(%arg8 : memref<512x32xf32, #tpu.memory_space<vmem>>) dst(%dma_wait3A_260 : memref<512x32xf32, #tpu.memory_space<hbm>>)
    return
  }
}

#map = affine_map<(d0, d1) -> (0, 0)>
#map1 = affine_map<(d0, d1) -> (0)>
module attributes {stable_mosaic.version = 14 : i64} {
  func.func @body(%arg0: i32, %arg1: i32, %arg2: memref<2609152x32xf32, #tpu.memory_space<hbm>>, %arg3: memref<212992xi32, #tpu.memory_space<hbm>>, %arg4: memref<212992x32xf32, #tpu.memory_space<hbm>>, %arg5: memref<6656xi32, #tpu.memory_space<vmem>>, %arg6: memref<512x32xf32, #tpu.memory_space<vmem>>, %arg7: memref<512x32xf32, #tpu.memory_space<vmem>>, %arg8: memref<512x32xf32, #tpu.memory_space<vmem>>, %arg9: memref<!tpu.dma_semaphore, #tpu.memory_space<semaphore_mem>>, %arg10: memref<!tpu.dma_semaphore, #tpu.memory_space<semaphore_mem>>, %arg11: memref<!tpu.dma_semaphore, #tpu.memory_space<semaphore_mem>>, %arg12: memref<!tpu.dma_semaphore, #tpu.memory_space<semaphore_mem>>, %arg13: memref<!tpu.dma_semaphore, #tpu.memory_space<semaphore_mem>>, %arg14: memref<!tpu.dma_semaphore, #tpu.memory_space<semaphore_mem>>) attributes {dimension_semantics = [#tpu.dimension_semantics<core_parallel>, #tpu.dimension_semantics<subcore_parallel>], iteration_bounds = array<i64: 2, 16>, scalar_prefetch = 0 : i64, scratch_operands = 10 : i64, tpu.core_type = #tpu.core_type<sc_vector_subcore>, window_params = [{transform_indices = #map}, {transform_indices = #map1}, {transform_indices = #map}]} {
    %mul3A = arith.constant 2 : i32
    %mul3A_0 = arith.muli %arg1, %mul3A : i32
    %add3A = arith.addi %mul3A_0, %arg0 : i32
    %mul3A_1 = arith.constant 6656 : i32
    %mul3A_2 = arith.muli %add3A, %mul3A_1 : i32
    "tpu.region"() ({
      %run_scoped3A = tpu.sem_alloc : memref<!tpu.dma_semaphore, #tpu.memory_space<semaphore_mem>>
      %dma_start3A_261 = tpu.memref_slice %arg3[%mul3A_2] : memref<212992xi32, #tpu.memory_space<hbm>> -> memref<6656xi32, #tpu.memory_space<hbm>>
      %dma_start3A_262 = tpu.memref_slice %arg3[%mul3A_2] : memref<212992xi32, #tpu.memory_space<hbm>> -> memref<6656xi32, #tpu.memory_space<hbm>>
      tpu.enqueue_dma source(%dma_start3A_262 : memref<6656xi32, #tpu.memory_space<hbm>>) target(%arg5 : memref<6656xi32, #tpu.memory_space<vmem>>) target_semaphore(%run_scoped3A : memref<!tpu.dma_semaphore, #tpu.memory_space<semaphore_mem>>)
      %dma_wait3A_263 = tpu.memref_slice %arg3[%mul3A_2] : memref<212992xi32, #tpu.memory_space<hbm>> -> memref<6656xi32, #tpu.memory_space<hbm>>
      %dma_wait3A_264 = tpu.memref_slice %arg3[%mul3A_2] : memref<212992xi32, #tpu.memory_space<hbm>> -> memref<6656xi32, #tpu.memory_space<hbm>>
      tpu.wait_dma2 semaphore(%run_scoped3A : memref<!tpu.dma_semaphore, #tpu.memory_space<semaphore_mem>>) src(%dma_wait3A_264 : memref<6656xi32, #tpu.memory_space<hbm>>) dst(%arg5 : memref<6656xi32, #tpu.memory_space<vmem>>)
      tpu.yield
    }) : () -> ()
    %dma_start3A = arith.constant 0 : i32
    %dma_start3A_3 = tpu.memref_slice %arg5[%dma_start3A] : memref<6656xi32, #tpu.memory_space<vmem>> -> memref<512xi32, #tpu.memory_space<vmem>>
    %dma_start3A_4 = arith.constant 0 : i32
    %dma_start3A_5 = arith.constant 0 : i32
    %dma_start3A_6 = tpu.memref_slice %arg2[%dma_start3A_4, %dma_start3A_5] : memref<2609152x32xf32, #tpu.memory_space<hbm>> -> memref<2609152x32xf32, #tpu.memory_space<hbm>>
    tpu.enqueue_indirect_dma source(%dma_start3A_6 : memref<2609152x32xf32, #tpu.memory_space<hbm>>) target(%arg6 : memref<512x32xf32, #tpu.memory_space<vmem>>) offsets(%dma_start3A_3 : memref<512xi32, #tpu.memory_space<vmem>>) semaphore(%arg9 : memref<!tpu.dma_semaphore, #tpu.memory_space<semaphore_mem>>)
    %dma_start3A_7 = arith.constant 512 : i32
    %dma_start3A_8 = tpu.memref_slice %arg5[%dma_start3A_7] : memref<6656xi32, #tpu.memory_space<vmem>> -> memref<512xi32, #tpu.memory_space<vmem>>
    %dma_start3A_9 = arith.constant 0 : i32
    %dma_start3A_10 = arith.constant 0 : i32
    %dma_start3A_11 = tpu.memref_slice %arg2[%dma_start3A_9, %dma_start3A_10] : memref<2609152x32xf32, #tpu.memory_space<hbm>> -> memref<2609152x32xf32, #tpu.memory_space<hbm>>
    tpu.enqueue_indirect_dma source(%dma_start3A_11 : memref<2609152x32xf32, #tpu.memory_space<hbm>>) target(%arg7 : memref<512x32xf32, #tpu.memory_space<vmem>>) offsets(%dma_start3A_8 : memref<512xi32, #tpu.memory_space<vmem>>) semaphore(%arg10 : memref<!tpu.dma_semaphore, #tpu.memory_space<semaphore_mem>>)
    %dma_start3A_12 = arith.constant 1024 : i32
    %dma_start3A_13 = tpu.memref_slice %arg5[%dma_start3A_12] : memref<6656xi32, #tpu.memory_space<vmem>> -> memref<512xi32, #tpu.memory_space<vmem>>
    %dma_start3A_14 = arith.constant 0 : i32
    %dma_start3A_15 = arith.constant 0 : i32
    %dma_start3A_16 = tpu.memref_slice %arg2[%dma_start3A_14, %dma_start3A_15] : memref<2609152x32xf32, #tpu.memory_space<hbm>> -> memref<2609152x32xf32, #tpu.memory_space<hbm>>
    tpu.enqueue_indirect_dma source(%dma_start3A_16 : memref<2609152x32xf32, #tpu.memory_space<hbm>>) target(%arg8 : memref<512x32xf32, #tpu.memory_space<vmem>>) offsets(%dma_start3A_13 : memref<512xi32, #tpu.memory_space<vmem>>) semaphore(%arg11 : memref<!tpu.dma_semaphore, #tpu.memory_space<semaphore_mem>>)
    %dma_wait3A = arith.constant 0 : i32
    %dma_wait3A_17 = tpu.memref_slice %arg5[%dma_wait3A] : memref<6656xi32, #tpu.memory_space<vmem>> -> memref<512xi32, #tpu.memory_space<vmem>>
    %dma_wait3A_18 = arith.constant 0 : i32
    %dma_wait3A_19 = arith.constant 0 : i32
    %dma_wait3A_20 = tpu.memref_slice %arg2[%dma_wait3A_18, %dma_wait3A_19] : memref<2609152x32xf32, #tpu.memory_space<hbm>> -> memref<2609152x32xf32, #tpu.memory_space<hbm>>
    tpu.wait_indirect_dma semaphore(%arg9 : memref<!tpu.dma_semaphore, #tpu.memory_space<semaphore_mem>>) src(%dma_wait3A_20 : memref<2609152x32xf32, #tpu.memory_space<hbm>>) dst(%arg6 : memref<512x32xf32, #tpu.memory_space<vmem>>)
    %add3A_21 = arith.constant 0 : i32
    %add3A_22 = arith.addi %mul3A_2, %add3A_21 : i32
    %dma_start3A_23 = arith.constant 0 : i32
    %dma_start3A_24 = tpu.memref_slice %arg4[%add3A_22, %dma_start3A_23] : memref<212992x32xf32, #tpu.memory_space<hbm>> -> memref<512x32xf32, #tpu.memory_space<hbm>>
    %dma_start3A_25 = arith.constant 0 : i32
    %dma_start3A_26 = tpu.memref_slice %arg4[%add3A_22, %dma_start3A_25] : memref<212992x32xf32, #tpu.memory_space<hbm>> -> memref<512x32xf32, #tpu.memory_space<hbm>>
    tpu.enqueue_dma source(%arg6 : memref<512x32xf32, #tpu.memory_space<vmem>>) target(%dma_start3A_26 : memref<512x32xf32, #tpu.memory_space<hbm>>) target_semaphore(%arg12 : memref<!tpu.dma_semaphore, #tpu.memory_space<semaphore_mem>>)
    %dma_wait3A_27 = arith.constant 0 : i32
    %dma_wait3A_28 = tpu.memref_slice %arg4[%add3A_22, %dma_wait3A_27] : memref<212992x32xf32, #tpu.memory_space<hbm>> -> memref<512x32xf32, #tpu.memory_space<hbm>>
    %dma_wait3A_29 = arith.constant 0 : i32
    %dma_wait3A_30 = tpu.memref_slice %arg4[%add3A_22, %dma_wait3A_29] : memref<212992x32xf32, #tpu.memory_space<hbm>> -> memref<512x32xf32, #tpu.memory_space<hbm>>
    tpu.wait_dma2 semaphore(%arg12 : memref<!tpu.dma_semaphore, #tpu.memory_space<semaphore_mem>>) src(%arg6 : memref<512x32xf32, #tpu.memory_space<vmem>>) dst(%dma_wait3A_30 : memref<512x32xf32, #tpu.memory_space<hbm>>)
    %dma_start3A_31 = arith.constant 1536 : i32
    %dma_start3A_32 = tpu.memref_slice %arg5[%dma_start3A_31] : memref<6656xi32, #tpu.memory_space<vmem>> -> memref<512xi32, #tpu.memory_space<vmem>>
    %dma_start3A_33 = arith.constant 0 : i32
    %dma_start3A_34 = arith.constant 0 : i32
    %dma_start3A_35 = tpu.memref_slice %arg2[%dma_start3A_33, %dma_start3A_34] : memref<2609152x32xf32, #tpu.memory_space<hbm>> -> memref<2609152x32xf32, #tpu.memory_space<hbm>>
    tpu.enqueue_indirect_dma source(%dma_start3A_35 : memref<2609152x32xf32, #tpu.memory_space<hbm>>) target(%arg6 : memref<512x32xf32, #tpu.memory_space<vmem>>) offsets(%dma_start3A_32 : memref<512xi32, #tpu.memory_space<vmem>>) semaphore(%arg9 : memref<!tpu.dma_semaphore, #tpu.memory_space<semaphore_mem>>)
    %dma_wait3A_36 = arith.constant 512 : i32
    %dma_wait3A_37 = tpu.memref_slice %arg5[%dma_wait3A_36] : memref<6656xi32, #tpu.memory_space<vmem>> -> memref<512xi32, #tpu.memory_space<vmem>>
    %dma_wait3A_38 = arith.constant 0 : i32
    %dma_wait3A_39 = arith.constant 0 : i32
    %dma_wait3A_40 = tpu.memref_slice %arg2[%dma_wait3A_38, %dma_wait3A_39] : memref<2609152x32xf32, #tpu.memory_space<hbm>> -> memref<2609152x32xf32, #tpu.memory_space<hbm>>
    tpu.wait_indirect_dma semaphore(%arg10 : memref<!tpu.dma_semaphore, #tpu.memory_space<semaphore_mem>>) src(%dma_wait3A_40 : memref<2609152x32xf32, #tpu.memory_space<hbm>>) dst(%arg7 : memref<512x32xf32, #tpu.memory_space<vmem>>)
    %add3A_41 = arith.constant 512 : i32
    %add3A_42 = arith.addi %mul3A_2, %add3A_41 : i32
    %dma_start3A_43 = arith.constant 0 : i32
    %dma_start3A_44 = tpu.memref_slice %arg4[%add3A_42, %dma_start3A_43] : memref<212992x32xf32, #tpu.memory_space<hbm>> -> memref<512x32xf32, #tpu.memory_space<hbm>>
    %dma_start3A_45 = arith.constant 0 : i32
    %dma_start3A_46 = tpu.memref_slice %arg4[%add3A_42, %dma_start3A_45] : memref<212992x32xf32, #tpu.memory_space<hbm>> -> memref<512x32xf32, #tpu.memory_space<hbm>>
    tpu.enqueue_dma source(%arg7 : memref<512x32xf32, #tpu.memory_space<vmem>>) target(%dma_start3A_46 : memref<512x32xf32, #tpu.memory_space<hbm>>) target_semaphore(%arg13 : memref<!tpu.dma_semaphore, #tpu.memory_space<semaphore_mem>>)
    %dma_wait3A_47 = arith.constant 0 : i32
    %dma_wait3A_48 = tpu.memref_slice %arg4[%add3A_42, %dma_wait3A_47] : memref<212992x32xf32, #tpu.memory_space<hbm>> -> memref<512x32xf32, #tpu.memory_space<hbm>>
    %dma_wait3A_49 = arith.constant 0 : i32
    %dma_wait3A_50 = tpu.memref_slice %arg4[%add3A_42, %dma_wait3A_49] : memref<212992x32xf32, #tpu.memory_space<hbm>> -> memref<512x32xf32, #tpu.memory_space<hbm>>
    tpu.wait_dma2 semaphore(%arg13 : memref<!tpu.dma_semaphore, #tpu.memory_space<semaphore_mem>>) src(%arg7 : memref<512x32xf32, #tpu.memory_space<vmem>>) dst(%dma_wait3A_50 : memref<512x32xf32, #tpu.memory_space<hbm>>)
    %dma_start3A_51 = arith.constant 2048 : i32
    %dma_start3A_52 = tpu.memref_slice %arg5[%dma_start3A_51] : memref<6656xi32, #tpu.memory_space<vmem>> -> memref<512xi32, #tpu.memory_space<vmem>>
    %dma_start3A_53 = arith.constant 0 : i32
    %dma_start3A_54 = arith.constant 0 : i32
    %dma_start3A_55 = tpu.memref_slice %arg2[%dma_start3A_53, %dma_start3A_54] : memref<2609152x32xf32, #tpu.memory_space<hbm>> -> memref<2609152x32xf32, #tpu.memory_space<hbm>>
    tpu.enqueue_indirect_dma source(%dma_start3A_55 : memref<2609152x32xf32, #tpu.memory_space<hbm>>) target(%arg7 : memref<512x32xf32, #tpu.memory_space<vmem>>) offsets(%dma_start3A_52 : memref<512xi32, #tpu.memory_space<vmem>>) semaphore(%arg10 : memref<!tpu.dma_semaphore, #tpu.memory_space<semaphore_mem>>)
    %dma_wait3A_56 = arith.constant 1024 : i32
    %dma_wait3A_57 = tpu.memref_slice %arg5[%dma_wait3A_56] : memref<6656xi32, #tpu.memory_space<vmem>> -> memref<512xi32, #tpu.memory_space<vmem>>
    %dma_wait3A_58 = arith.constant 0 : i32
    %dma_wait3A_59 = arith.constant 0 : i32
    %dma_wait3A_60 = tpu.memref_slice %arg2[%dma_wait3A_58, %dma_wait3A_59] : memref<2609152x32xf32, #tpu.memory_space<hbm>> -> memref<2609152x32xf32, #tpu.memory_space<hbm>>
    tpu.wait_indirect_dma semaphore(%arg11 : memref<!tpu.dma_semaphore, #tpu.memory_space<semaphore_mem>>) src(%dma_wait3A_60 : memref<2609152x32xf32, #tpu.memory_space<hbm>>) dst(%arg8 : memref<512x32xf32, #tpu.memory_space<vmem>>)
    %add3A_61 = arith.constant 1024 : i32
    %add3A_62 = arith.addi %mul3A_2, %add3A_61 : i32
    %dma_start3A_63 = arith.constant 0 : i32
    %dma_start3A_64 = tpu.memref_slice %arg4[%add3A_62, %dma_start3A_63] : memref<212992x32xf32, #tpu.memory_space<hbm>> -> memref<512x32xf32, #tpu.memory_space<hbm>>
    %dma_start3A_65 = arith.constant 0 : i32
    %dma_start3A_66 = tpu.memref_slice %arg4[%add3A_62, %dma_start3A_65] : memref<212992x32xf32, #tpu.memory_space<hbm>> -> memref<512x32xf32, #tpu.memory_space<hbm>>
    tpu.enqueue_dma source(%arg8 : memref<512x32xf32, #tpu.memory_space<vmem>>) target(%dma_start3A_66 : memref<512x32xf32, #tpu.memory_space<hbm>>) target_semaphore(%arg14 : memref<!tpu.dma_semaphore, #tpu.memory_space<semaphore_mem>>)
    %dma_wait3A_67 = arith.constant 0 : i32
    %dma_wait3A_68 = tpu.memref_slice %arg4[%add3A_62, %dma_wait3A_67] : memref<212992x32xf32, #tpu.memory_space<hbm>> -> memref<512x32xf32, #tpu.memory_space<hbm>>
    %dma_wait3A_69 = arith.constant 0 : i32
    %dma_wait3A_70 = tpu.memref_slice %arg4[%add3A_62, %dma_wait3A_69] : memref<212992x32xf32, #tpu.memory_space<hbm>> -> memref<512x32xf32, #tpu.memory_space<hbm>>
    tpu.wait_dma2 semaphore(%arg14 : memref<!tpu.dma_semaphore, #tpu.memory_space<semaphore_mem>>) src(%arg8 : memref<512x32xf32, #tpu.memory_space<vmem>>) dst(%dma_wait3A_70 : memref<512x32xf32, #tpu.memory_space<hbm>>)
    %dma_start3A_71 = arith.constant 2560 : i32
    %dma_start3A_72 = tpu.memref_slice %arg5[%dma_start3A_71] : memref<6656xi32, #tpu.memory_space<vmem>> -> memref<512xi32, #tpu.memory_space<vmem>>
    %dma_start3A_73 = arith.constant 0 : i32
    %dma_start3A_74 = arith.constant 0 : i32
    %dma_start3A_75 = tpu.memref_slice %arg2[%dma_start3A_73, %dma_start3A_74] : memref<2609152x32xf32, #tpu.memory_space<hbm>> -> memref<2609152x32xf32, #tpu.memory_space<hbm>>
    tpu.enqueue_indirect_dma source(%dma_start3A_75 : memref<2609152x32xf32, #tpu.memory_space<hbm>>) target(%arg8 : memref<512x32xf32, #tpu.memory_space<vmem>>) offsets(%dma_start3A_72 : memref<512xi32, #tpu.memory_space<vmem>>) semaphore(%arg11 : memref<!tpu.dma_semaphore, #tpu.memory_space<semaphore_mem>>)
    %dma_wait3A_76 = arith.constant 1536 : i32
    %dma_wait3A_77 = tpu.memref_slice %arg5[%dma_wait3A_76] : memref<6656xi32, #tpu.memory_space<vmem>> -> memref<512xi32, #tpu.memory_space<vmem>>
    %dma_wait3A_78 = arith.constant 0 : i32
    %dma_wait3A_79 = arith.constant 0 : i32
    %dma_wait3A_80 = tpu.memref_slice %arg2[%dma_wait3A_78, %dma_wait3A_79] : memref<2609152x32xf32, #tpu.memory_space<hbm>> -> memref<2609152x32xf32, #tpu.memory_space<hbm>>
    tpu.wait_indirect_dma semaphore(%arg9 : memref<!tpu.dma_semaphore, #tpu.memory_space<semaphore_mem>>) src(%dma_wait3A_80 : memref<2609152x32xf32, #tpu.memory_space<hbm>>) dst(%arg6 : memref<512x32xf32, #tpu.memory_space<vmem>>)
    %add3A_81 = arith.constant 1536 : i32
    %add3A_82 = arith.addi %mul3A_2, %add3A_81 : i32
    %dma_start3A_83 = arith.constant 0 : i32
    %dma_start3A_84 = tpu.memref_slice %arg4[%add3A_82, %dma_start3A_83] : memref<212992x32xf32, #tpu.memory_space<hbm>> -> memref<512x32xf32, #tpu.memory_space<hbm>>
    %dma_start3A_85 = arith.constant 0 : i32
    %dma_start3A_86 = tpu.memref_slice %arg4[%add3A_82, %dma_start3A_85] : memref<212992x32xf32, #tpu.memory_space<hbm>> -> memref<512x32xf32, #tpu.memory_space<hbm>>
    tpu.enqueue_dma source(%arg6 : memref<512x32xf32, #tpu.memory_space<vmem>>) target(%dma_start3A_86 : memref<512x32xf32, #tpu.memory_space<hbm>>) target_semaphore(%arg12 : memref<!tpu.dma_semaphore, #tpu.memory_space<semaphore_mem>>)
    %dma_wait3A_87 = arith.constant 0 : i32
    %dma_wait3A_88 = tpu.memref_slice %arg4[%add3A_82, %dma_wait3A_87] : memref<212992x32xf32, #tpu.memory_space<hbm>> -> memref<512x32xf32, #tpu.memory_space<hbm>>
    %dma_wait3A_89 = arith.constant 0 : i32
    %dma_wait3A_90 = tpu.memref_slice %arg4[%add3A_82, %dma_wait3A_89] : memref<212992x32xf32, #tpu.memory_space<hbm>> -> memref<512x32xf32, #tpu.memory_space<hbm>>
    tpu.wait_dma2 semaphore(%arg12 : memref<!tpu.dma_semaphore, #tpu.memory_space<semaphore_mem>>) src(%arg6 : memref<512x32xf32, #tpu.memory_space<vmem>>) dst(%dma_wait3A_90 : memref<512x32xf32, #tpu.memory_space<hbm>>)
    %dma_start3A_91 = arith.constant 3072 : i32
    %dma_start3A_92 = tpu.memref_slice %arg5[%dma_start3A_91] : memref<6656xi32, #tpu.memory_space<vmem>> -> memref<512xi32, #tpu.memory_space<vmem>>
    %dma_start3A_93 = arith.constant 0 : i32
    %dma_start3A_94 = arith.constant 0 : i32
    %dma_start3A_95 = tpu.memref_slice %arg2[%dma_start3A_93, %dma_start3A_94] : memref<2609152x32xf32, #tpu.memory_space<hbm>> -> memref<2609152x32xf32, #tpu.memory_space<hbm>>
    tpu.enqueue_indirect_dma source(%dma_start3A_95 : memref<2609152x32xf32, #tpu.memory_space<hbm>>) target(%arg6 : memref<512x32xf32, #tpu.memory_space<vmem>>) offsets(%dma_start3A_92 : memref<512xi32, #tpu.memory_space<vmem>>) semaphore(%arg9 : memref<!tpu.dma_semaphore, #tpu.memory_space<semaphore_mem>>)
    %dma_wait3A_96 = arith.constant 2048 : i32
    %dma_wait3A_97 = tpu.memref_slice %arg5[%dma_wait3A_96] : memref<6656xi32, #tpu.memory_space<vmem>> -> memref<512xi32, #tpu.memory_space<vmem>>
    %dma_wait3A_98 = arith.constant 0 : i32
    %dma_wait3A_99 = arith.constant 0 : i32
    %dma_wait3A_100 = tpu.memref_slice %arg2[%dma_wait3A_98, %dma_wait3A_99] : memref<2609152x32xf32, #tpu.memory_space<hbm>> -> memref<2609152x32xf32, #tpu.memory_space<hbm>>
    tpu.wait_indirect_dma semaphore(%arg10 : memref<!tpu.dma_semaphore, #tpu.memory_space<semaphore_mem>>) src(%dma_wait3A_100 : memref<2609152x32xf32, #tpu.memory_space<hbm>>) dst(%arg7 : memref<512x32xf32, #tpu.memory_space<vmem>>)
    %add3A_101 = arith.constant 2048 : i32
    %add3A_102 = arith.addi %mul3A_2, %add3A_101 : i32
    %dma_start3A_103 = arith.constant 0 : i32
    %dma_start3A_104 = tpu.memref_slice %arg4[%add3A_102, %dma_start3A_103] : memref<212992x32xf32, #tpu.memory_space<hbm>> -> memref<512x32xf32, #tpu.memory_space<hbm>>
    %dma_start3A_105 = arith.constant 0 : i32
    %dma_start3A_106 = tpu.memref_slice %arg4[%add3A_102, %dma_start3A_105] : memref<212992x32xf32, #tpu.memory_space<hbm>> -> memref<512x32xf32, #tpu.memory_space<hbm>>
    tpu.enqueue_dma source(%arg7 : memref<512x32xf32, #tpu.memory_space<vmem>>) target(%dma_start3A_106 : memref<512x32xf32, #tpu.memory_space<hbm>>) target_semaphore(%arg13 : memref<!tpu.dma_semaphore, #tpu.memory_space<semaphore_mem>>)
    %dma_wait3A_107 = arith.constant 0 : i32
    %dma_wait3A_108 = tpu.memref_slice %arg4[%add3A_102, %dma_wait3A_107] : memref<212992x32xf32, #tpu.memory_space<hbm>> -> memref<512x32xf32, #tpu.memory_space<hbm>>
    %dma_wait3A_109 = arith.constant 0 : i32
    %dma_wait3A_110 = tpu.memref_slice %arg4[%add3A_102, %dma_wait3A_109] : memref<212992x32xf32, #tpu.memory_space<hbm>> -> memref<512x32xf32, #tpu.memory_space<hbm>>
    tpu.wait_dma2 semaphore(%arg13 : memref<!tpu.dma_semaphore, #tpu.memory_space<semaphore_mem>>) src(%arg7 : memref<512x32xf32, #tpu.memory_space<vmem>>) dst(%dma_wait3A_110 : memref<512x32xf32, #tpu.memory_space<hbm>>)
    %dma_start3A_111 = arith.constant 3584 : i32
    %dma_start3A_112 = tpu.memref_slice %arg5[%dma_start3A_111] : memref<6656xi32, #tpu.memory_space<vmem>> -> memref<512xi32, #tpu.memory_space<vmem>>
    %dma_start3A_113 = arith.constant 0 : i32
    %dma_start3A_114 = arith.constant 0 : i32
    %dma_start3A_115 = tpu.memref_slice %arg2[%dma_start3A_113, %dma_start3A_114] : memref<2609152x32xf32, #tpu.memory_space<hbm>> -> memref<2609152x32xf32, #tpu.memory_space<hbm>>
    tpu.enqueue_indirect_dma source(%dma_start3A_115 : memref<2609152x32xf32, #tpu.memory_space<hbm>>) target(%arg7 : memref<512x32xf32, #tpu.memory_space<vmem>>) offsets(%dma_start3A_112 : memref<512xi32, #tpu.memory_space<vmem>>) semaphore(%arg10 : memref<!tpu.dma_semaphore, #tpu.memory_space<semaphore_mem>>)
    %dma_wait3A_116 = arith.constant 2560 : i32
    %dma_wait3A_117 = tpu.memref_slice %arg5[%dma_wait3A_116] : memref<6656xi32, #tpu.memory_space<vmem>> -> memref<512xi32, #tpu.memory_space<vmem>>
    %dma_wait3A_118 = arith.constant 0 : i32
    %dma_wait3A_119 = arith.constant 0 : i32
    %dma_wait3A_120 = tpu.memref_slice %arg2[%dma_wait3A_118, %dma_wait3A_119] : memref<2609152x32xf32, #tpu.memory_space<hbm>> -> memref<2609152x32xf32, #tpu.memory_space<hbm>>
    tpu.wait_indirect_dma semaphore(%arg11 : memref<!tpu.dma_semaphore, #tpu.memory_space<semaphore_mem>>) src(%dma_wait3A_120 : memref<2609152x32xf32, #tpu.memory_space<hbm>>) dst(%arg8 : memref<512x32xf32, #tpu.memory_space<vmem>>)
    %add3A_121 = arith.constant 2560 : i32
    %add3A_122 = arith.addi %mul3A_2, %add3A_121 : i32
    %dma_start3A_123 = arith.constant 0 : i32
    %dma_start3A_124 = tpu.memref_slice %arg4[%add3A_122, %dma_start3A_123] : memref<212992x32xf32, #tpu.memory_space<hbm>> -> memref<512x32xf32, #tpu.memory_space<hbm>>
    %dma_start3A_125 = arith.constant 0 : i32
    %dma_start3A_126 = tpu.memref_slice %arg4[%add3A_122, %dma_start3A_125] : memref<212992x32xf32, #tpu.memory_space<hbm>> -> memref<512x32xf32, #tpu.memory_space<hbm>>
    tpu.enqueue_dma source(%arg8 : memref<512x32xf32, #tpu.memory_space<vmem>>) target(%dma_start3A_126 : memref<512x32xf32, #tpu.memory_space<hbm>>) target_semaphore(%arg14 : memref<!tpu.dma_semaphore, #tpu.memory_space<semaphore_mem>>)
    %dma_wait3A_127 = arith.constant 0 : i32
    %dma_wait3A_128 = tpu.memref_slice %arg4[%add3A_122, %dma_wait3A_127] : memref<212992x32xf32, #tpu.memory_space<hbm>> -> memref<512x32xf32, #tpu.memory_space<hbm>>
    %dma_wait3A_129 = arith.constant 0 : i32
    %dma_wait3A_130 = tpu.memref_slice %arg4[%add3A_122, %dma_wait3A_129] : memref<212992x32xf32, #tpu.memory_space<hbm>> -> memref<512x32xf32, #tpu.memory_space<hbm>>
    tpu.wait_dma2 semaphore(%arg14 : memref<!tpu.dma_semaphore, #tpu.memory_space<semaphore_mem>>) src(%arg8 : memref<512x32xf32, #tpu.memory_space<vmem>>) dst(%dma_wait3A_130 : memref<512x32xf32, #tpu.memory_space<hbm>>)
    %dma_start3A_131 = arith.constant 4096 : i32
    %dma_start3A_132 = tpu.memref_slice %arg5[%dma_start3A_131] : memref<6656xi32, #tpu.memory_space<vmem>> -> memref<512xi32, #tpu.memory_space<vmem>>
    %dma_start3A_133 = arith.constant 0 : i32
    %dma_start3A_134 = arith.constant 0 : i32
    %dma_start3A_135 = tpu.memref_slice %arg2[%dma_start3A_133, %dma_start3A_134] : memref<2609152x32xf32, #tpu.memory_space<hbm>> -> memref<2609152x32xf32, #tpu.memory_space<hbm>>
    tpu.enqueue_indirect_dma source(%dma_start3A_135 : memref<2609152x32xf32, #tpu.memory_space<hbm>>) target(%arg8 : memref<512x32xf32, #tpu.memory_space<vmem>>) offsets(%dma_start3A_132 : memref<512xi32, #tpu.memory_space<vmem>>) semaphore(%arg11 : memref<!tpu.dma_semaphore, #tpu.memory_space<semaphore_mem>>)
    %dma_wait3A_136 = arith.constant 3072 : i32
    %dma_wait3A_137 = tpu.memref_slice %arg5[%dma_wait3A_136] : memref<6656xi32, #tpu.memory_space<vmem>> -> memref<512xi32, #tpu.memory_space<vmem>>
    %dma_wait3A_138 = arith.constant 0 : i32
    %dma_wait3A_139 = arith.constant 0 : i32
    %dma_wait3A_140 = tpu.memref_slice %arg2[%dma_wait3A_138, %dma_wait3A_139] : memref<2609152x32xf32, #tpu.memory_space<hbm>> -> memref<2609152x32xf32, #tpu.memory_space<hbm>>
    tpu.wait_indirect_dma semaphore(%arg9 : memref<!tpu.dma_semaphore, #tpu.memory_space<semaphore_mem>>) src(%dma_wait3A_140 : memref<2609152x32xf32, #tpu.memory_space<hbm>>) dst(%arg6 : memref<512x32xf32, #tpu.memory_space<vmem>>)
    %add3A_141 = arith.constant 3072 : i32
    %add3A_142 = arith.addi %mul3A_2, %add3A_141 : i32
    %dma_start3A_143 = arith.constant 0 : i32
    %dma_start3A_144 = tpu.memref_slice %arg4[%add3A_142, %dma_start3A_143] : memref<212992x32xf32, #tpu.memory_space<hbm>> -> memref<512x32xf32, #tpu.memory_space<hbm>>
    %dma_start3A_145 = arith.constant 0 : i32
    %dma_start3A_146 = tpu.memref_slice %arg4[%add3A_142, %dma_start3A_145] : memref<212992x32xf32, #tpu.memory_space<hbm>> -> memref<512x32xf32, #tpu.memory_space<hbm>>
    tpu.enqueue_dma source(%arg6 : memref<512x32xf32, #tpu.memory_space<vmem>>) target(%dma_start3A_146 : memref<512x32xf32, #tpu.memory_space<hbm>>) target_semaphore(%arg12 : memref<!tpu.dma_semaphore, #tpu.memory_space<semaphore_mem>>)
    %dma_wait3A_147 = arith.constant 0 : i32
    %dma_wait3A_148 = tpu.memref_slice %arg4[%add3A_142, %dma_wait3A_147] : memref<212992x32xf32, #tpu.memory_space<hbm>> -> memref<512x32xf32, #tpu.memory_space<hbm>>
    %dma_wait3A_149 = arith.constant 0 : i32
    %dma_wait3A_150 = tpu.memref_slice %arg4[%add3A_142, %dma_wait3A_149] : memref<212992x32xf32, #tpu.memory_space<hbm>> -> memref<512x32xf32, #tpu.memory_space<hbm>>
    tpu.wait_dma2 semaphore(%arg12 : memref<!tpu.dma_semaphore, #tpu.memory_space<semaphore_mem>>) src(%arg6 : memref<512x32xf32, #tpu.memory_space<vmem>>) dst(%dma_wait3A_150 : memref<512x32xf32, #tpu.memory_space<hbm>>)
    %dma_start3A_151 = arith.constant 4608 : i32
    %dma_start3A_152 = tpu.memref_slice %arg5[%dma_start3A_151] : memref<6656xi32, #tpu.memory_space<vmem>> -> memref<512xi32, #tpu.memory_space<vmem>>
    %dma_start3A_153 = arith.constant 0 : i32
    %dma_start3A_154 = arith.constant 0 : i32
    %dma_start3A_155 = tpu.memref_slice %arg2[%dma_start3A_153, %dma_start3A_154] : memref<2609152x32xf32, #tpu.memory_space<hbm>> -> memref<2609152x32xf32, #tpu.memory_space<hbm>>
    tpu.enqueue_indirect_dma source(%dma_start3A_155 : memref<2609152x32xf32, #tpu.memory_space<hbm>>) target(%arg6 : memref<512x32xf32, #tpu.memory_space<vmem>>) offsets(%dma_start3A_152 : memref<512xi32, #tpu.memory_space<vmem>>) semaphore(%arg9 : memref<!tpu.dma_semaphore, #tpu.memory_space<semaphore_mem>>)
    %dma_wait3A_156 = arith.constant 3584 : i32
    %dma_wait3A_157 = tpu.memref_slice %arg5[%dma_wait3A_156] : memref<6656xi32, #tpu.memory_space<vmem>> -> memref<512xi32, #tpu.memory_space<vmem>>
    %dma_wait3A_158 = arith.constant 0 : i32
    %dma_wait3A_159 = arith.constant 0 : i32
    %dma_wait3A_160 = tpu.memref_slice %arg2[%dma_wait3A_158, %dma_wait3A_159] : memref<2609152x32xf32, #tpu.memory_space<hbm>> -> memref<2609152x32xf32, #tpu.memory_space<hbm>>
    tpu.wait_indirect_dma semaphore(%arg10 : memref<!tpu.dma_semaphore, #tpu.memory_space<semaphore_mem>>) src(%dma_wait3A_160 : memref<2609152x32xf32, #tpu.memory_space<hbm>>) dst(%arg7 : memref<512x32xf32, #tpu.memory_space<vmem>>)
    %add3A_161 = arith.constant 3584 : i32
    %add3A_162 = arith.addi %mul3A_2, %add3A_161 : i32
    %dma_start3A_163 = arith.constant 0 : i32
    %dma_start3A_164 = tpu.memref_slice %arg4[%add3A_162, %dma_start3A_163] : memref<212992x32xf32, #tpu.memory_space<hbm>> -> memref<512x32xf32, #tpu.memory_space<hbm>>
    %dma_start3A_165 = arith.constant 0 : i32
    %dma_start3A_166 = tpu.memref_slice %arg4[%add3A_162, %dma_start3A_165] : memref<212992x32xf32, #tpu.memory_space<hbm>> -> memref<512x32xf32, #tpu.memory_space<hbm>>
    tpu.enqueue_dma source(%arg7 : memref<512x32xf32, #tpu.memory_space<vmem>>) target(%dma_start3A_166 : memref<512x32xf32, #tpu.memory_space<hbm>>) target_semaphore(%arg13 : memref<!tpu.dma_semaphore, #tpu.memory_space<semaphore_mem>>)
    %dma_wait3A_167 = arith.constant 0 : i32
    %dma_wait3A_168 = tpu.memref_slice %arg4[%add3A_162, %dma_wait3A_167] : memref<212992x32xf32, #tpu.memory_space<hbm>> -> memref<512x32xf32, #tpu.memory_space<hbm>>
    %dma_wait3A_169 = arith.constant 0 : i32
    %dma_wait3A_170 = tpu.memref_slice %arg4[%add3A_162, %dma_wait3A_169] : memref<212992x32xf32, #tpu.memory_space<hbm>> -> memref<512x32xf32, #tpu.memory_space<hbm>>
    tpu.wait_dma2 semaphore(%arg13 : memref<!tpu.dma_semaphore, #tpu.memory_space<semaphore_mem>>) src(%arg7 : memref<512x32xf32, #tpu.memory_space<vmem>>) dst(%dma_wait3A_170 : memref<512x32xf32, #tpu.memory_space<hbm>>)
    %dma_start3A_171 = arith.constant 5120 : i32
    %dma_start3A_172 = tpu.memref_slice %arg5[%dma_start3A_171] : memref<6656xi32, #tpu.memory_space<vmem>> -> memref<512xi32, #tpu.memory_space<vmem>>
    %dma_start3A_173 = arith.constant 0 : i32
    %dma_start3A_174 = arith.constant 0 : i32
    %dma_start3A_175 = tpu.memref_slice %arg2[%dma_start3A_173, %dma_start3A_174] : memref<2609152x32xf32, #tpu.memory_space<hbm>> -> memref<2609152x32xf32, #tpu.memory_space<hbm>>
    tpu.enqueue_indirect_dma source(%dma_start3A_175 : memref<2609152x32xf32, #tpu.memory_space<hbm>>) target(%arg7 : memref<512x32xf32, #tpu.memory_space<vmem>>) offsets(%dma_start3A_172 : memref<512xi32, #tpu.memory_space<vmem>>) semaphore(%arg10 : memref<!tpu.dma_semaphore, #tpu.memory_space<semaphore_mem>>)
    %dma_wait3A_176 = arith.constant 4096 : i32
    %dma_wait3A_177 = tpu.memref_slice %arg5[%dma_wait3A_176] : memref<6656xi32, #tpu.memory_space<vmem>> -> memref<512xi32, #tpu.memory_space<vmem>>
    %dma_wait3A_178 = arith.constant 0 : i32
    %dma_wait3A_179 = arith.constant 0 : i32
    %dma_wait3A_180 = tpu.memref_slice %arg2[%dma_wait3A_178, %dma_wait3A_179] : memref<2609152x32xf32, #tpu.memory_space<hbm>> -> memref<2609152x32xf32, #tpu.memory_space<hbm>>
    tpu.wait_indirect_dma semaphore(%arg11 : memref<!tpu.dma_semaphore, #tpu.memory_space<semaphore_mem>>) src(%dma_wait3A_180 : memref<2609152x32xf32, #tpu.memory_space<hbm>>) dst(%arg8 : memref<512x32xf32, #tpu.memory_space<vmem>>)
    %add3A_181 = arith.constant 4096 : i32
    %add3A_182 = arith.addi %mul3A_2, %add3A_181 : i32
    %dma_start3A_183 = arith.constant 0 : i32
    %dma_start3A_184 = tpu.memref_slice %arg4[%add3A_182, %dma_start3A_183] : memref<212992x32xf32, #tpu.memory_space<hbm>> -> memref<512x32xf32, #tpu.memory_space<hbm>>
    %dma_start3A_185 = arith.constant 0 : i32
    %dma_start3A_186 = tpu.memref_slice %arg4[%add3A_182, %dma_start3A_185] : memref<212992x32xf32, #tpu.memory_space<hbm>> -> memref<512x32xf32, #tpu.memory_space<hbm>>
    tpu.enqueue_dma source(%arg8 : memref<512x32xf32, #tpu.memory_space<vmem>>) target(%dma_start3A_186 : memref<512x32xf32, #tpu.memory_space<hbm>>) target_semaphore(%arg14 : memref<!tpu.dma_semaphore, #tpu.memory_space<semaphore_mem>>)
    %dma_wait3A_187 = arith.constant 0 : i32
    %dma_wait3A_188 = tpu.memref_slice %arg4[%add3A_182, %dma_wait3A_187] : memref<212992x32xf32, #tpu.memory_space<hbm>> -> memref<512x32xf32, #tpu.memory_space<hbm>>
    %dma_wait3A_189 = arith.constant 0 : i32
    %dma_wait3A_190 = tpu.memref_slice %arg4[%add3A_182, %dma_wait3A_189] : memref<212992x32xf32, #tpu.memory_space<hbm>> -> memref<512x32xf32, #tpu.memory_space<hbm>>
    tpu.wait_dma2 semaphore(%arg14 : memref<!tpu.dma_semaphore, #tpu.memory_space<semaphore_mem>>) src(%arg8 : memref<512x32xf32, #tpu.memory_space<vmem>>) dst(%dma_wait3A_190 : memref<512x32xf32, #tpu.memory_space<hbm>>)
    %dma_start3A_191 = arith.constant 5632 : i32
    %dma_start3A_192 = tpu.memref_slice %arg5[%dma_start3A_191] : memref<6656xi32, #tpu.memory_space<vmem>> -> memref<512xi32, #tpu.memory_space<vmem>>
    %dma_start3A_193 = arith.constant 0 : i32
    %dma_start3A_194 = arith.constant 0 : i32
    %dma_start3A_195 = tpu.memref_slice %arg2[%dma_start3A_193, %dma_start3A_194] : memref<2609152x32xf32, #tpu.memory_space<hbm>> -> memref<2609152x32xf32, #tpu.memory_space<hbm>>
    tpu.enqueue_indirect_dma source(%dma_start3A_195 : memref<2609152x32xf32, #tpu.memory_space<hbm>>) target(%arg8 : memref<512x32xf32, #tpu.memory_space<vmem>>) offsets(%dma_start3A_192 : memref<512xi32, #tpu.memory_space<vmem>>) semaphore(%arg11 : memref<!tpu.dma_semaphore, #tpu.memory_space<semaphore_mem>>)
    %dma_wait3A_196 = arith.constant 4608 : i32
    %dma_wait3A_197 = tpu.memref_slice %arg5[%dma_wait3A_196] : memref<6656xi32, #tpu.memory_space<vmem>> -> memref<512xi32, #tpu.memory_space<vmem>>
    %dma_wait3A_198 = arith.constant 0 : i32
    %dma_wait3A_199 = arith.constant 0 : i32
    %dma_wait3A_200 = tpu.memref_slice %arg2[%dma_wait3A_198, %dma_wait3A_199] : memref<2609152x32xf32, #tpu.memory_space<hbm>> -> memref<2609152x32xf32, #tpu.memory_space<hbm>>
    tpu.wait_indirect_dma semaphore(%arg9 : memref<!tpu.dma_semaphore, #tpu.memory_space<semaphore_mem>>) src(%dma_wait3A_200 : memref<2609152x32xf32, #tpu.memory_space<hbm>>) dst(%arg6 : memref<512x32xf32, #tpu.memory_space<vmem>>)
    %add3A_201 = arith.constant 4608 : i32
    %add3A_202 = arith.addi %mul3A_2, %add3A_201 : i32
    %dma_start3A_203 = arith.constant 0 : i32
    %dma_start3A_204 = tpu.memref_slice %arg4[%add3A_202, %dma_start3A_203] : memref<212992x32xf32, #tpu.memory_space<hbm>> -> memref<512x32xf32, #tpu.memory_space<hbm>>
    %dma_start3A_205 = arith.constant 0 : i32
    %dma_start3A_206 = tpu.memref_slice %arg4[%add3A_202, %dma_start3A_205] : memref<212992x32xf32, #tpu.memory_space<hbm>> -> memref<512x32xf32, #tpu.memory_space<hbm>>
    tpu.enqueue_dma source(%arg6 : memref<512x32xf32, #tpu.memory_space<vmem>>) target(%dma_start3A_206 : memref<512x32xf32, #tpu.memory_space<hbm>>) target_semaphore(%arg12 : memref<!tpu.dma_semaphore, #tpu.memory_space<semaphore_mem>>)
    %dma_wait3A_207 = arith.constant 0 : i32
    %dma_wait3A_208 = tpu.memref_slice %arg4[%add3A_202, %dma_wait3A_207] : memref<212992x32xf32, #tpu.memory_space<hbm>> -> memref<512x32xf32, #tpu.memory_space<hbm>>
    %dma_wait3A_209 = arith.constant 0 : i32
    %dma_wait3A_210 = tpu.memref_slice %arg4[%add3A_202, %dma_wait3A_209] : memref<212992x32xf32, #tpu.memory_space<hbm>> -> memref<512x32xf32, #tpu.memory_space<hbm>>
    tpu.wait_dma2 semaphore(%arg12 : memref<!tpu.dma_semaphore, #tpu.memory_space<semaphore_mem>>) src(%arg6 : memref<512x32xf32, #tpu.memory_space<vmem>>) dst(%dma_wait3A_210 : memref<512x32xf32, #tpu.memory_space<hbm>>)
    %dma_start3A_211 = arith.constant 6144 : i32
    %dma_start3A_212 = tpu.memref_slice %arg5[%dma_start3A_211] : memref<6656xi32, #tpu.memory_space<vmem>> -> memref<512xi32, #tpu.memory_space<vmem>>
    %dma_start3A_213 = arith.constant 0 : i32
    %dma_start3A_214 = arith.constant 0 : i32
    %dma_start3A_215 = tpu.memref_slice %arg2[%dma_start3A_213, %dma_start3A_214] : memref<2609152x32xf32, #tpu.memory_space<hbm>> -> memref<2609152x32xf32, #tpu.memory_space<hbm>>
    tpu.enqueue_indirect_dma source(%dma_start3A_215 : memref<2609152x32xf32, #tpu.memory_space<hbm>>) target(%arg6 : memref<512x32xf32, #tpu.memory_space<vmem>>) offsets(%dma_start3A_212 : memref<512xi32, #tpu.memory_space<vmem>>) semaphore(%arg9 : memref<!tpu.dma_semaphore, #tpu.memory_space<semaphore_mem>>)
    %dma_wait3A_216 = arith.constant 5120 : i32
    %dma_wait3A_217 = tpu.memref_slice %arg5[%dma_wait3A_216] : memref<6656xi32, #tpu.memory_space<vmem>> -> memref<512xi32, #tpu.memory_space<vmem>>
    %dma_wait3A_218 = arith.constant 0 : i32
    %dma_wait3A_219 = arith.constant 0 : i32
    %dma_wait3A_220 = tpu.memref_slice %arg2[%dma_wait3A_218, %dma_wait3A_219] : memref<2609152x32xf32, #tpu.memory_space<hbm>> -> memref<2609152x32xf32, #tpu.memory_space<hbm>>
    tpu.wait_indirect_dma semaphore(%arg10 : memref<!tpu.dma_semaphore, #tpu.memory_space<semaphore_mem>>) src(%dma_wait3A_220 : memref<2609152x32xf32, #tpu.memory_space<hbm>>) dst(%arg7 : memref<512x32xf32, #tpu.memory_space<vmem>>)
    %add3A_221 = arith.constant 5120 : i32
    %add3A_222 = arith.addi %mul3A_2, %add3A_221 : i32
    %dma_start3A_223 = arith.constant 0 : i32
    %dma_start3A_224 = tpu.memref_slice %arg4[%add3A_222, %dma_start3A_223] : memref<212992x32xf32, #tpu.memory_space<hbm>> -> memref<512x32xf32, #tpu.memory_space<hbm>>
    %dma_start3A_225 = arith.constant 0 : i32
    %dma_start3A_226 = tpu.memref_slice %arg4[%add3A_222, %dma_start3A_225] : memref<212992x32xf32, #tpu.memory_space<hbm>> -> memref<512x32xf32, #tpu.memory_space<hbm>>
    tpu.enqueue_dma source(%arg7 : memref<512x32xf32, #tpu.memory_space<vmem>>) target(%dma_start3A_226 : memref<512x32xf32, #tpu.memory_space<hbm>>) target_semaphore(%arg13 : memref<!tpu.dma_semaphore, #tpu.memory_space<semaphore_mem>>)
    %dma_wait3A_227 = arith.constant 5632 : i32
    %dma_wait3A_228 = tpu.memref_slice %arg5[%dma_wait3A_227] : memref<6656xi32, #tpu.memory_space<vmem>> -> memref<512xi32, #tpu.memory_space<vmem>>
    %dma_wait3A_229 = arith.constant 0 : i32
    %dma_wait3A_230 = arith.constant 0 : i32
    %dma_wait3A_231 = tpu.memref_slice %arg2[%dma_wait3A_229, %dma_wait3A_230] : memref<2609152x32xf32, #tpu.memory_space<hbm>> -> memref<2609152x32xf32, #tpu.memory_space<hbm>>
    tpu.wait_indirect_dma semaphore(%arg11 : memref<!tpu.dma_semaphore, #tpu.memory_space<semaphore_mem>>) src(%dma_wait3A_231 : memref<2609152x32xf32, #tpu.memory_space<hbm>>) dst(%arg8 : memref<512x32xf32, #tpu.memory_space<vmem>>)
    %add3A_232 = arith.constant 5632 : i32
    %add3A_233 = arith.addi %mul3A_2, %add3A_232 : i32
    %dma_start3A_234 = arith.constant 0 : i32
    %dma_start3A_235 = tpu.memref_slice %arg4[%add3A_233, %dma_start3A_234] : memref<212992x32xf32, #tpu.memory_space<hbm>> -> memref<512x32xf32, #tpu.memory_space<hbm>>
    %dma_start3A_236 = arith.constant 0 : i32
    %dma_start3A_237 = tpu.memref_slice %arg4[%add3A_233, %dma_start3A_236] : memref<212992x32xf32, #tpu.memory_space<hbm>> -> memref<512x32xf32, #tpu.memory_space<hbm>>
    tpu.enqueue_dma source(%arg8 : memref<512x32xf32, #tpu.memory_space<vmem>>) target(%dma_start3A_237 : memref<512x32xf32, #tpu.memory_space<hbm>>) target_semaphore(%arg14 : memref<!tpu.dma_semaphore, #tpu.memory_space<semaphore_mem>>)
    %dma_wait3A_238 = arith.constant 6144 : i32
    %dma_wait3A_239 = tpu.memref_slice %arg5[%dma_wait3A_238] : memref<6656xi32, #tpu.memory_space<vmem>> -> memref<512xi32, #tpu.memory_space<vmem>>
    %dma_wait3A_240 = arith.constant 0 : i32
    %dma_wait3A_241 = arith.constant 0 : i32
    %dma_wait3A_242 = tpu.memref_slice %arg2[%dma_wait3A_240, %dma_wait3A_241] : memref<2609152x32xf32, #tpu.memory_space<hbm>> -> memref<2609152x32xf32, #tpu.memory_space<hbm>>
    tpu.wait_indirect_dma semaphore(%arg9 : memref<!tpu.dma_semaphore, #tpu.memory_space<semaphore_mem>>) src(%dma_wait3A_242 : memref<2609152x32xf32, #tpu.memory_space<hbm>>) dst(%arg6 : memref<512x32xf32, #tpu.memory_space<vmem>>)
    %add3A_243 = arith.constant 6144 : i32
    %add3A_244 = arith.addi %mul3A_2, %add3A_243 : i32
    %dma_start3A_245 = arith.constant 0 : i32
    %dma_start3A_246 = tpu.memref_slice %arg4[%add3A_244, %dma_start3A_245] : memref<212992x32xf32, #tpu.memory_space<hbm>> -> memref<512x32xf32, #tpu.memory_space<hbm>>
    %dma_start3A_247 = arith.constant 0 : i32
    %dma_start3A_248 = tpu.memref_slice %arg4[%add3A_244, %dma_start3A_247] : memref<212992x32xf32, #tpu.memory_space<hbm>> -> memref<512x32xf32, #tpu.memory_space<hbm>>
    tpu.enqueue_dma source(%arg6 : memref<512x32xf32, #tpu.memory_space<vmem>>) target(%dma_start3A_248 : memref<512x32xf32, #tpu.memory_space<hbm>>) target_semaphore(%arg12 : memref<!tpu.dma_semaphore, #tpu.memory_space<semaphore_mem>>)
    %dma_wait3A_249 = arith.constant 0 : i32
    %dma_wait3A_250 = tpu.memref_slice %arg4[%add3A_244, %dma_wait3A_249] : memref<212992x32xf32, #tpu.memory_space<hbm>> -> memref<512x32xf32, #tpu.memory_space<hbm>>
    %dma_wait3A_251 = arith.constant 0 : i32
    %dma_wait3A_252 = tpu.memref_slice %arg4[%add3A_244, %dma_wait3A_251] : memref<212992x32xf32, #tpu.memory_space<hbm>> -> memref<512x32xf32, #tpu.memory_space<hbm>>
    tpu.wait_dma2 semaphore(%arg12 : memref<!tpu.dma_semaphore, #tpu.memory_space<semaphore_mem>>) src(%arg6 : memref<512x32xf32, #tpu.memory_space<vmem>>) dst(%dma_wait3A_252 : memref<512x32xf32, #tpu.memory_space<hbm>>)
    %dma_wait3A_253 = arith.constant 0 : i32
    %dma_wait3A_254 = tpu.memref_slice %arg4[%add3A_222, %dma_wait3A_253] : memref<212992x32xf32, #tpu.memory_space<hbm>> -> memref<512x32xf32, #tpu.memory_space<hbm>>
    %dma_wait3A_255 = arith.constant 0 : i32
    %dma_wait3A_256 = tpu.memref_slice %arg4[%add3A_222, %dma_wait3A_255] : memref<212992x32xf32, #tpu.memory_space<hbm>> -> memref<512x32xf32, #tpu.memory_space<hbm>>
    tpu.wait_dma2 semaphore(%arg13 : memref<!tpu.dma_semaphore, #tpu.memory_space<semaphore_mem>>) src(%arg7 : memref<512x32xf32, #tpu.memory_space<vmem>>) dst(%dma_wait3A_256 : memref<512x32xf32, #tpu.memory_space<hbm>>)
    %dma_wait3A_257 = arith.constant 0 : i32
    %dma_wait3A_258 = tpu.memref_slice %arg4[%add3A_233, %dma_wait3A_257] : memref<212992x32xf32, #tpu.memory_space<hbm>> -> memref<512x32xf32, #tpu.memory_space<hbm>>
    %dma_wait3A_259 = arith.constant 0 : i32
    %dma_wait3A_260 = tpu.memref_slice %arg4[%add3A_233, %dma_wait3A_259] : memref<212992x32xf32, #tpu.memory_space<hbm>> -> memref<512x32xf32, #tpu.memory_space<hbm>>
    tpu.wait_dma2 semaphore(%arg14 : memref<!tpu.dma_semaphore, #tpu.memory_space<semaphore_mem>>) src(%arg8 : memref<512x32xf32, #tpu.memory_space<vmem>>) dst(%dma_wait3A_260 : memref<512x32xf32, #tpu.memory_space<hbm>>)
    return
  }
}

module attributes {stable_mosaic.version = 14 : i64} {
  func.func @_transpose_body(%arg0: i32, %arg1: i32, %arg2: memref<1x32x25088xf32, #tpu.memory_space<vmem>>, %arg3: memref<6272x128xf32, #tpu.memory_space<vmem>>) attributes {dimension_semantics = [#tpu.dimension_semantics<arbitrary>, #tpu.dimension_semantics<arbitrary>], iteration_bounds = array<i64: 26, 4>, scalar_prefetch = 0 : i64, scratch_operands = 0 : i64, tpu.core_type = #tpu.core_type<tc>, window_params = [{transform_indices = @transform_0, window_bounds = array<i64: 1, 32, 25088>}, {transform_indices = @transform_1, window_bounds = array<i64: 6272, 128>}]} {
    %get3A = arith.constant 0 : index
    %get3A_0 = arith.constant 0 : index
    %get3A_1 = arith.constant 0 : index
    %get3A_2 = vector.load %arg2[%get3A, %get3A_0, %get3A_1] : memref<1x32x25088xf32, #tpu.memory_space<vmem>>, vector<1x32x25088xf32>
    %get3A_3 = vector.shape_cast %get3A_2 : vector<1x32x25088xf32> to vector<32x25088xf32>
    %iota3A = tpu.iota {dimensions = array<i32: 1>} : vector<32x25088xi32>
    %mul3A = arith.constant 25088 : i32
    %mul3A_4 = arith.muli %arg1, %mul3A : i32
    %sub3A = arith.constant 100000 : i32
    %sub3A_5 = arith.subi %sub3A, %mul3A_4 : i32
    %lt3A = vector.broadcast %sub3A_5 : i32 to vector<32x25088xi32>
    %lt3A_6 = arith.cmpi slt, %iota3A, %lt3A : vector<32x25088xi32>
    %jit3A = arith.constant 0.000000e+00 : f32
    %broadcast_in_dim3A = vector.broadcast %jit3A : f32 to vector<32x25088xf32>
    %select_n3A = arith.select %lt3A_6, %get3A_3, %broadcast_in_dim3A : vector<32x25088xi1>, vector<32x25088xf32>
    %slice3A = vector.extract_strided_slice %select_n3A {offsets = [0, 0], sizes = [32, 6272], strides = [1, 1]} : vector<32x25088xf32> to vector<32x6272xf32>
    %slice3A_7 = vector.extract_strided_slice %select_n3A {offsets = [0, 6272], sizes = [32, 6272], strides = [1, 1]} : vector<32x25088xf32> to vector<32x6272xf32>
    %slice3A_8 = vector.extract_strided_slice %select_n3A {offsets = [0, 12544], sizes = [32, 6272], strides = [1, 1]} : vector<32x25088xf32> to vector<32x6272xf32>
    %slice3A_9 = vector.extract_strided_slice %select_n3A {offsets = [0, 18816], sizes = [32, 6272], strides = [1, 1]} : vector<32x25088xf32> to vector<32x6272xf32>
    %concatenate3A = tpu.concatenate %slice3A, %slice3A_7, %slice3A_8, %slice3A_9 in 0 : vector<32x6272xf32>, vector<32x6272xf32>, vector<32x6272xf32>, vector<32x6272xf32> -> vector<128x6272xf32>
    %iota3A_10 = tpu.iota {dimensions = array<i32: 0>} : vector<128x128xi32>
    %iota3A_11 = tpu.iota {dimensions = array<i32: 1>} : vector<128x128xi32>
    %add3A = arith.constant 0 : i32
    %add3A_12 = vector.broadcast %add3A : i32 to vector<128x128xi32>
    %add3A_13 = arith.addi %iota3A_10, %add3A_12 : vector<128x128xi32>
    %eq3A = arith.cmpi eq, %add3A_13, %iota3A_11 : vector<128x128xi32>
    %convert_element_type3A = arith.extui %eq3A : vector<128x128xi1> to vector<128x128xi32>
    %convert_element_type3A_14 = arith.sitofp %convert_element_type3A : vector<128x128xi32> to vector<128x128xf32>
    %dot_general3A = arith.constant dense<0.000000e+00> : vector<6272x128xf32>
    %dot_general3A_15 = tpu.matmul %concatenate3A, %convert_element_type3A_14, %dot_general3A {dimension_numbers = #tpu.dot_dimension_numbers<[0], [0], [1], [1], [0, 1, 1, 1], [], []>, transpose_lhs_hint = true} : vector<128x6272xf32>, vector<128x128xf32>, vector<6272x128xf32> -> vector<6272x128xf32>
    %swap3A = arith.constant 0 : index
    %swap3A_16 = arith.constant 0 : index
    %swap3A_17 = vector.load %arg3[%swap3A, %swap3A_16] : memref<6272x128xf32, #tpu.memory_space<vmem>>, vector<6272x128xf32>
    tpu.vector_store %arg3[%swap3A, %swap3A_16], %dot_general3A_15 {strides = array<i32>} : memref<6272x128xf32, #tpu.memory_space<vmem>>, vector<6272x128xf32>,
    return
  }
  func.func @transform_0(%arg0: i32, %arg1: i32) -> (i32, i32, i32) {
    %c0_i32 = arith.constant 0 : i32
    %c0_i32_0 = arith.constant 0 : i32
    return %arg0, %c0_i32, %arg1 : i32, i32, i32
  }
  func.func @transform_1(%arg0: i32, %arg1: i32) -> (i32, i32) {
    %mul3A = arith.constant 4 : i32
    %mul3A_0 = arith.muli %arg0, %mul3A : i32
    %add3A = arith.addi %mul3A_0, %arg1 : i32
    %c0_i32 = arith.constant 0 : i32
    %c0_i32_1 = arith.constant 0 : i32
    return %add3A, %c0_i32 : i32, i32
  }
}

module attributes {stable_mosaic.version = 14 : i64} {
  func.func @_mlp_body(%arg0: i32, %arg1: memref<2048x832xf32, #tpu.memory_space<vmem>>, %arg2: memref<2048x13xf32, #tpu.memory_space<vmem>>, %arg3: memref<832x64xf32, #tpu.memory_space<vmem>>, %arg4: memref<1x64xf32, #tpu.memory_space<vmem>>, %arg5: memref<13x64xf32, #tpu.memory_space<vmem>>, %arg6: memref<1x64xf32, #tpu.memory_space<vmem>>, %arg7: memref<128x2xf32, #tpu.memory_space<vmem>>, %arg8: memref<1x2xf32, #tpu.memory_space<vmem>>, %arg9: memref<2048x2xf32, #tpu.memory_space<vmem>>) attributes {dimension_semantics = [#tpu.dimension_semantics<arbitrary>], iteration_bounds = array<i64: 4>, scalar_prefetch = 0 : i64, scratch_operands = 0 : i64, tpu.core_type = #tpu.core_type<tc>, window_params = [{transform_indices = @transform_0, window_bounds = array<i64: 2048, 832>}, {transform_indices = @transform_1, window_bounds = array<i64: 2048, 13>}, {pipeline_mode = #tpu.pipeline_mode<synchronous>, transform_indices = @transform_2, window_bounds = array<i64: 832, 64>}, {pipeline_mode = #tpu.pipeline_mode<synchronous>, transform_indices = @transform_3, window_bounds = array<i64: 1, 64>}, {pipeline_mode = #tpu.pipeline_mode<synchronous>, transform_indices = @transform_4, window_bounds = array<i64: 13, 64>}, {pipeline_mode = #tpu.pipeline_mode<synchronous>, transform_indices = @transform_5, window_bounds = array<i64: 1, 64>}, {pipeline_mode = #tpu.pipeline_mode<synchronous>, transform_indices = @transform_6, window_bounds = array<i64: 128, 2>}, {pipeline_mode = #tpu.pipeline_mode<synchronous>, transform_indices = @transform_7, window_bounds = array<i64: 1, 2>}, {transform_indices = @transform_8, window_bounds = array<i64: 2048, 2>}]} {
    %get3A = arith.constant 0 : index
    %get3A_0 = arith.constant 0 : index
    %get3A_1 = vector.load %arg1[%get3A, %get3A_0] : memref<2048x832xf32, #tpu.memory_space<vmem>>, vector<2048x832xf32>
    %get3A_2 = arith.constant 0 : index
    %get3A_3 = arith.constant 0 : index
    %get3A_4 = vector.load %arg3[%get3A_2, %get3A_3] : memref<832x64xf32, #tpu.memory_space<vmem>>, vector<832x64xf32>
    %dot_general3A = arith.constant dense<0.000000e+00> : vector<2048x64xf32>
    %dot_general3A_5 = tpu.matmul %get3A_1, %get3A_4, %dot_general3A {dimension_numbers = #tpu.dot_dimension_numbers<[1], [0], [0], [1], [0, 0, 1, 1], [], []>, transpose_lhs_hint = false} : vector<2048x832xf32>, vector<832x64xf32>, vector<2048x64xf32> -> vector<2048x64xf32>
    %get3A_6 = arith.constant 0 : index
    %get3A_7 = arith.constant 0 : index
    %get3A_8 = vector.load %arg4[%get3A_6, %get3A_7] : memref<1x64xf32, #tpu.memory_space<vmem>>, vector<1x64xf32>
    %add3A = vector.broadcast %get3A_8 : vector<1x64xf32> to vector<2048x64xf32>
    %add3A_9 = arith.addf %dot_general3A_5, %add3A : vector<2048x64xf32>
    %max3A = arith.constant 0.000000e+00 : f32
    %max3A_10 = vector.broadcast %max3A : f32 to vector<2048x64xf32>
    %max3A_11 = arith.maximumf %add3A_9, %max3A_10 : vector<2048x64xf32>
    %get3A_12 = arith.constant 0 : index
    %get3A_13 = arith.constant 0 : index
    %get3A_14 = vector.load %arg2[%get3A_12, %get3A_13] : memref<2048x13xf32, #tpu.memory_space<vmem>>, vector<2048x13xf32>
    %get3A_15 = arith.constant 0 : index
    %get3A_16 = arith.constant 0 : index
    %get3A_17 = vector.load %arg5[%get3A_15, %get3A_16] : memref<13x64xf32, #tpu.memory_space<vmem>>, vector<13x64xf32>
    %dot_general3A_18 = arith.constant dense<0.000000e+00> : vector<2048x64xf32>
    %dot_general3A_19 = tpu.matmul %get3A_14, %get3A_17, %dot_general3A_18 {dimension_numbers = #tpu.dot_dimension_numbers<[1], [0], [0], [1], [0, 0, 1, 1], [], []>, transpose_lhs_hint = false} : vector<2048x13xf32>, vector<13x64xf32>, vector<2048x64xf32> -> vector<2048x64xf32>
    %get3A_20 = arith.constant 0 : index
    %get3A_21 = arith.constant 0 : index
    %get3A_22 = vector.load %arg6[%get3A_20, %get3A_21] : memref<1x64xf32, #tpu.memory_space<vmem>>, vector<1x64xf32>
    %add3A_23 = vector.broadcast %get3A_22 : vector<1x64xf32> to vector<2048x64xf32>
    %add3A_24 = arith.addf %dot_general3A_19, %add3A_23 : vector<2048x64xf32>
    %max3A_25 = arith.constant 0.000000e+00 : f32
    %max3A_26 = vector.broadcast %max3A_25 : f32 to vector<2048x64xf32>
    %max3A_27 = arith.maximumf %add3A_24, %max3A_26 : vector<2048x64xf32>
    %get3A_28 = arith.constant 0 : index
    %get3A_29 = arith.constant 0 : index
    %get3A_30 = vector.load %arg7[%get3A_28, %get3A_29] : memref<128x2xf32, #tpu.memory_space<vmem>>, vector<64x2xf32>
    %dot_general3A_31 = arith.constant dense<0.000000e+00> : vector<2048x2xf32>
    %dot_general3A_32 = tpu.matmul %max3A_27, %get3A_30, %dot_general3A_31 {dimension_numbers = #tpu.dot_dimension_numbers<[1], [0], [0], [1], [0, 0, 1, 1], [], []>, transpose_lhs_hint = false} : vector<2048x64xf32>, vector<64x2xf32>, vector<2048x2xf32> -> vector<2048x2xf32>
    %get3A_33 = arith.constant 64 : index
    %get3A_34 = arith.constant 0 : index
    %get3A_35 = vector.load %arg7[%get3A_33, %get3A_34] : memref<128x2xf32, #tpu.memory_space<vmem>>, vector<64x2xf32>
    %dot_general3A_36 = arith.constant dense<0.000000e+00> : vector<2048x2xf32>
    %dot_general3A_37 = tpu.matmul %max3A_11, %get3A_35, %dot_general3A_36 {dimension_numbers = #tpu.dot_dimension_numbers<[1], [0], [0], [1], [0, 0, 1, 1], [], []>, transpose_lhs_hint = false} : vector<2048x64xf32>, vector<64x2xf32>, vector<2048x2xf32> -> vector<2048x2xf32>
    %add3A_38 = arith.addf %dot_general3A_32, %dot_general3A_37 : vector<2048x2xf32>
    %get3A_39 = arith.constant 0 : index
    %get3A_40 = arith.constant 0 : index
    %get3A_41 = vector.load %arg8[%get3A_39, %get3A_40] : memref<1x2xf32, #tpu.memory_space<vmem>>, vector<1x2xf32>
    %add3A_42 = vector.broadcast %get3A_41 : vector<1x2xf32> to vector<2048x2xf32>
    %add3A_43 = arith.addf %add3A_38, %add3A_42 : vector<2048x2xf32>
    %swap3A = arith.constant 0 : index
    %swap3A_44 = arith.constant 0 : index
    %swap3A_45 = vector.load %arg9[%swap3A, %swap3A_44] : memref<2048x2xf32, #tpu.memory_space<vmem>>, vector<2048x2xf32>
    tpu.vector_store %arg9[%swap3A, %swap3A_44], %add3A_43 {strides = array<i32>} : memref<2048x2xf32, #tpu.memory_space<vmem>>, vector<2048x2xf32>,
    return
  }
  func.func @transform_0(%arg0: i32) -> (i32, i32) {
    %c0_i32 = arith.constant 0 : i32
    %c0_i32_0 = arith.constant 0 : i32
    return %arg0, %c0_i32 : i32, i32
  }
  func.func @transform_1(%arg0: i32) -> (i32, i32) {
    %c0_i32 = arith.constant 0 : i32
    %c0_i32_0 = arith.constant 0 : i32
    return %arg0, %c0_i32 : i32, i32
  }
  func.func @transform_2(%arg0: i32) -> (i32, i32) {
    %c0_i32 = arith.constant 0 : i32
    %c0_i32_0 = arith.constant 0 : i32
    %c0_i32_1 = arith.constant 0 : i32
    return %c0_i32, %c0_i32_0 : i32, i32
  }
  func.func @transform_3(%arg0: i32) -> (i32, i32) {
    %c0_i32 = arith.constant 0 : i32
    %c0_i32_0 = arith.constant 0 : i32
    %c0_i32_1 = arith.constant 0 : i32
    return %c0_i32, %c0_i32_0 : i32, i32
  }
  func.func @transform_4(%arg0: i32) -> (i32, i32) {
    %c0_i32 = arith.constant 0 : i32
    %c0_i32_0 = arith.constant 0 : i32
    %c0_i32_1 = arith.constant 0 : i32
    return %c0_i32, %c0_i32_0 : i32, i32
  }
  func.func @transform_5(%arg0: i32) -> (i32, i32) {
    %c0_i32 = arith.constant 0 : i32
    %c0_i32_0 = arith.constant 0 : i32
    %c0_i32_1 = arith.constant 0 : i32
    return %c0_i32, %c0_i32_0 : i32, i32
  }
  func.func @transform_6(%arg0: i32) -> (i32, i32) {
    %c0_i32 = arith.constant 0 : i32
    %c0_i32_0 = arith.constant 0 : i32
    %c0_i32_1 = arith.constant 0 : i32
    return %c0_i32, %c0_i32_0 : i32, i32
  }
  func.func @transform_7(%arg0: i32) -> (i32, i32) {
    %c0_i32 = arith.constant 0 : i32
    %c0_i32_0 = arith.constant 0 : i32
    %c0_i32_1 = arith.constant 0 : i32
    return %c0_i32, %c0_i32_0 : i32, i32
  }
  func.func @transform_8(%arg0: i32) -> (i32, i32) {
    %c0_i32 = arith.constant 0 : i32
    %c0_i32_0 = arith.constant 0 : i32
    return %arg0, %c0_i32 : i32, i32
  }
}

</mosaic_0001>

<sc_bundles>
// kernel: kernel.10.cloned.1.call-start
scs
__scs_entry_jumppad:
0x0: {  	(pc) =	sbr.rel $0x88, $3  }
0x1: {  	(tag) =	ssettag $0x0;
	lr =	simm.s32 $0x1  }
0x2: {  	[smem:$0x3F98] =	sst lr;
	_ =	strace $0xD0000000  }
0x3: {  	_ = 	snop  }
0x4: {  	_ = 	snop  }
0x5: {  	_ = 	snop  }
0x6: {  	_ = 	snop  }
0x7: {  	_ = 	snop  }
__scs_overlays_trampoline_lowered:
0x8: {  	[smem:$0x3FA7] =	sst s0  }
0x9: {  	[smem:$0x3FA8] =	sst s1  }
0xa: {  	[smem:$0x3FA9] =	sst s2  }
0xb: {  	[smem:$0x3FAA] =	sst s3  }
0xc: {  	[smem:$0x3FAB] =	sst s4  }
0xd: {  	[smem:$0x3FAC] =	sst s5  }
0xe: {  	[smem:$0x3FAD] =	sst s6  }
0xf: {  	[smem:$0x3FAE] =	sst s7  }
0x10: {  	[smem:$0x3FAF] =	sst s8  }
0x11: {  	[smem:$0x3FB0] =	sst s9;
	s0 =	simm.s32 @!p0 $0x0  }
0x12: {  	s1 =	sld [smem:$0x3F96];
	s0 =	simm.s32 @p0 $0x1  }
0x13: {  	[smem:$0x3FB1] =	sst s0;
	s0 =	simm.s32 @!p1 $0x0  }
0x14: {  	s2 =	sld [smem:$0x3F95];
	s0 =	simm.s32 @p1 $0x1  }
0x15: {  	[smem:$0x3FB2] =	sst s0;
	s0 =	simm.s32 @!p2 $0x0  }
0x16: {  	s3 =	sld [smem:$0x3FDB];
	s0 =	simm.s32 @p2 $0x1  }
0x17: {  	s4 =	simm.s32 $0x1BF5;
	[smem:$0x3FB4] =	sst s0  }
0x18: {  	s0 =	sld [smem:$0x3F97];
	_ =	swait.ge [sflag:s4], $0x0  }
0x19: {  	s7 =	sld [smem:$0x3F98]  }
0x1a: {  	s8 =	sadd.s32 $0xFFFFE003, lr  }
0x1b: {  	s9 =	sadd.s32 $0xFFFFFEF7, lr;
	s5 =	simm.s32 $0xFFFFFFFF;
	p2 =	slt.u32 s8, $0xFFFFF086  }
0x1c: {  	p1 =	slt.u32 s9, $0xF7A;
	s5 =	simm.s32 @!p2 $0x0  }
0x1d: {  	s5 =	simm.s32 @p1 $0x1;
	p0 =	seq.s32 s7, s2  }
0x1e: {  	s7 =	smul.u32 @!p0 $0xF7A, s2;
	p2 =	seq.s32 @!p0 s5, $0x0  }
0x1f: {  	s9 =	smul.u32 $0xF7A, s1;
	s8 =	simm.s32 @!p0 $0x1BF5;
	p2 =	por !p2, p0  }
0x20: {  	[sflag:s8] =	ssyncset.s32 @!p0 $0xFFFFF086;
	s6 =	sadd.s32 @!p0 s3, s7;
	s7 =	simm.s32 @!p0 $0x108  }
0x21: {  	s3 =	sadd.s32 s3, s9;
	s6 =	sadd.s32 @!p0 $0x88, s6;
	s7 =	simm.s32 @p2 $0x1082  }
0x22: {  	[simem:s7], [sflag:s8] =	dma.local @!p0 [hbm:s6], $0xF7A  }
0x23: {  	s9 =	sor.u32 $0xD0000000, s2;
	s6 =	simm.s32 $0x108;
	_ =	swait.ge @!p0 [sflag:s8], $0x0  }
0x24: {  	s3 =	sadd.s32 $0x88, s3;
	s6 =	simm.s32 @!p1 $0x1082;
	[sflag:s4] =	ssyncset.s32 $0xFFFFF086  }
0x25: {  	[simem:s6], [sflag:s4] =	dma.local [hbm:s3], $0xF7A  }
0x26: {  	[smem:$0x3F98] =	sst s1;
	(tag) =	ssettag s2;
	_ =	strace s9  }
0x27: {  	s1 =	sld [smem:$0x3FA8]  }
0x28: {  	s2 =	sld [smem:$0x3FA9]  }
0x29: {  	s4 =	sld [smem:$0x3FAB]  }
0x2a: {  	p0 =	seq.s32 s5, $0x0;
	s5 =	sld [smem:$0x3FAC]  }
0x2b: {  	s6 =	sld [smem:$0x3FAD]  }
0x2c: {  	s7 =	sld [smem:$0x3FAE]  }
0x2d: {  	s3 =	simm.s32 $0x108;
	s8 =	sld [smem:$0x3FAF]  }
0x2e: {  	s3 =	simm.s32 @!p0 $0x1082;
	s9 =	sld [smem:$0x3FB0]  }
0x2f: {  	lr =	sadd.s32 s0, s3;
	s0 =	sld [smem:$0x3FA7]  }
0x30: {  	s3 =	sld [smem:$0x3FAA]  }
0x31: {  	[smem:$0x3FB3] =	sst s10  }
0x32: {  	s10 =	sld [smem:$0x3FB1];
	_ =	sdelay $0x3  }
0x33: {  	p0 =	seq.s32 s10, $0x1;
	s10 =	sld [smem:$0x3FB3];
	_ =	sdelay $0x3  }
0x34: {  	[smem:$0x3FB3] =	sst s10  }
0x35: {  	s10 =	sld [smem:$0x3FB2];
	_ =	sdelay $0x3  }
0x36: {  	p1 =	seq.s32 s10, $0x1;
	s10 =	sld [smem:$0x3FB3];
	_ =	sdelay $0x3  }
0x37: {  	[smem:$0x3FB3] =	sst s10  }
0x38: {  	s10 =	sld [smem:$0x3FB4]  }
0x39: {  	_ = 	snop;
	(pc) =	sbr.ind lr, $3  }
0x3a: {  	_ = 	snop  }
0x3b: {  	_ = 	snop  }
0x3c: {  	p2 =	seq.s32 s10, $0x1;
	s10 =	sld [smem:$0x3FB3]  }
0x3d: {  	_ =	shalt  }
0x3e: {  	_ =	shalt  }
0x3f: {  	_ =	shalt  }
0x40: {  	_ =	shalt  }
0x41: {  	_ =	shalt  }
0x42: {  	_ =	shalt  }
0x43: {  	_ =	shalt  }
0x44: {  	_ =	shalt  }
0x45: {  	_ =	shalt  }
0x46: {  	_ =	shalt  }
0x47: {  	_ =	shalt  }
0x48: {  	_ =	shalt  }
0x49: {  	_ =	shalt  }
0x4a: {  	_ =	shalt  }
0x4b: {  	_ =	shalt  }
0x4c: {  	_ =	shalt  }
0x4d: {  	_ =	shalt  }
0x4e: {  	_ =	shalt  }
0x4f: {  	_ =	shalt  }
0x50: {  	_ =	shalt  }
0x51: {  	_ =	shalt  }
0x52: {  	_ =	shalt  }
0x53: {  	_ =	shalt  }
0x54: {  	_ =	shalt  }
0x55: {  	_ =	shalt  }
0x56: {  	_ =	shalt  }
0x57: {  	_ =	shalt  }
0x58: {  	_ =	shalt  }
0x59: {  	_ =	shalt  }
0x5a: {  	_ =	shalt  }
0x5b: {  	_ =	shalt  }
0x5c: {  	_ =	shalt  }
0x5d: {  	_ =	shalt  }
0x5e: {  	_ =	shalt  }
0x5f: {  	_ =	shalt  }
0x60: {  	_ =	shalt  }
0x61: {  	_ =	shalt  }
0x62: {  	_ =	shalt  }
0x63: {  	_ =	shalt  }
0x64: {  	_ =	shalt  }
0x65: {  	_ =	shalt  }
0x66: {  	_ =	shalt  }
0x67: {  	_ =	shalt  }
0x68: {  	_ =	shalt  }
0x69: {  	_ =	shalt  }
0x6a: {  	_ =	shalt  }
0x6b: {  	_ =	shalt  }
0x6c: {  	_ =	shalt  }
0x6d: {  	_ =	shalt  }
0x6e: {  	_ =	shalt  }
0x6f: {  	_ =	shalt  }
0x70: {  	_ =	shalt  }
0x71: {  	_ =	shalt  }
0x72: {  	_ =	shalt  }
0x73: {  	_ =	shalt  }
0x74: {  	_ =	shalt  }
0x75: {  	_ =	shalt  }
0x76: {  	_ =	shalt  }
0x77: {  	_ =	shalt  }
0x78: {  	_ =	shalt  }
0x79: {  	_ =	shalt  }
0x7a: {  	_ =	shalt  }
0x7b: {  	_ =	shalt  }
0x7c: {  	_ =	shalt  }
0x7d: {  	_ =	shalt  }
0x7e: {  	_ =	shalt  }
0x7f: {  	_ =	shalt  }
0x80: {  	_ =	shalt  }
0x81: {  	_ =	shalt  }
0x82: {  	_ =	shalt  }
0x83: {  	_ =	shalt  }
0x84: {  	_ =	shalt  }
0x85: {  	_ =	shalt  }
0x86: {  	_ =	shalt  }
0x87: {  	_ =	shalt  }
.Lfunc_end0:
.L_simem_size_0:
called_computation.1_lowered:
.L_overlay_start_0:
0x88: {  	s2 =	sld [smem:$0x3FD9]  }
0x89: {  	s3 =	sld [smem:$0x3FFE];
	_ =	sdelay $0x1  }
0x8a: {  	s1 =	srdreg.scid  }
0x8b: {  	s0 =	sand.u32 $0x1, s1  }
0x8c: {  	s16 =	sshll.u32 s0, $0xA;
	s2 =	sadd.s32 s3, s2  }
0x8d: {  	s2 =	sadd.s32 s2, s16  }
0x8e: {  	[smem:$0x3FBF] =	sst s2  }
0x8f: {  	_ = 	snop  }
0x90: {  	(tm) =	ssettm $0x1  }
0x91: {  	s17 =	sld [smem:$0x3FFB];
	_ =	sdelay $0x3  }
0x92: {  	_ =	strace s17  }
0x93: {  	s2 =	sld [smem:$0x3FFC];
	_ =	sdelay $0x3  }
0x94: {  	_ =	strace s2  }
0x95: {  	s2 =	sld [smem:$0x3FFD];
	_ =	sdelay $0x3  }
0x96: {  	_ =	strace s2  }
0x97: {  	_ =	strace $0x8FFFFFFF  }
0x98: {  	s18 =	sld [smem:$0x3FDB];
	_ =	sdelay $0x1  }
0x99: {  	s19 =	simm.s32 $_scs_section_size  }
0x9a: {  	s4 =	simm.s32 $_size__tile_overlayer_lowered;
	s5 =	simm.s32 $_tile_overlayer_lowered  }
0x9b: {  	s22 =	simm.s32 $0x1BFF;
	s21 =	sshll.u32 s5, $0x1;
	s2 =	sadd.s32 s19, s18  }
0x9c: {  	s6 =	simm.s32 $0x0;
	s20 =	sshll.u32 s4, $0x1;
	s4 =	sadd.s32 s21, s2  }
0x9d: {  	[timem:s6], [sflag:s22] =	dma.local [hbm:s4], s20  }
0x9e: {  	_ =	swait.ge [sflag:s22], s20  }
0x9f: {  	s3 =	ssub.s32 $0x0, s20;
	[sflag:s22] =	ssyncset.done $0x0  }
0xa0: {  	[sflag:s22] =	ssyncadd.s32 s3;
	_ =	sdelay $0x1  }
0xa1: {  	s23 =	simm.s32 $0x1B8B  }
0xa2: {  	_ =	swait.ge [sflag:s23], $0x1  }
0xa3: {  	[sflag:s23] =	ssyncset.done $0x0  }
0xa4: {  	s25 =	simm.s32 $0x1B8E;
	s24 =	sld [smem:$0x3FFE];
	[sflag:s23] =	ssyncadd.s32 $0xFFFFFFFF  }
0xa5: {  	s26 =	simm.s32 $execute0_lowered;
	[smem:$0x3FD2] =	sst s25  }
0xa6: {  	s4 =	sshll.u32 s26, $0x1;
	_ =	strace $0x80000046;
	[dreg:$0x1] =	wrdreg $0xFFFFFFFF  }
0xa7: {  	s28 =	simm.s32 $_size_execute0_lowered;
	s2 =	sadd.s32 s2, s4;
	[dreg:$0x0] =	wrdreg $0x0  }
0xa8: {  	s4 =	sshll.u32 s28, $0x1;
	[dreg:$0x2] =	wrdreg s2  }
0xa9: {  	[dreg:$0x3] =	wrdreg s4  }
0xaa: {  	[dreg:$0x4] =	wrdreg $0xC0  }
0xab: {  	_ =	task [dreg:s6], $0x5FFFF  }
0xac: {  	[dreg:$0x1] =	wrdreg $0xFFFFFFFF  }
0xad: {  	[dreg:$0x0] =	wrdreg $0x60  }
0xae: {  	[dreg:$0x2] =	wrdreg s24  }
0xaf: {  	[dreg:$0x3] =	wrdreg $0xA  }
0xb0: {  	_ =	task.clear_ibuf [dreg:s6], $0x4FFFF;
	_ =	strace $0x90000046  }
0xb1: {  	s29 =	simm.s32 $0xA;
	_ =	strace $0x80000048  }
0xb2: {  	_ =	swait.ge [sflag:s29], $0x1  }
0xb3: {  	[sflag:s29] =	ssyncadd.s32 $0xFFFFFFFF  }
0xb4: {  	_ =	strace $0x90000048  }
0xb5: {  	_ =	sfence  }
0xb6: {  	s30 =	sld [smem:$0x0];
	_ =	sdelay $0x2  }
0xb7: {  	s31 =	sshll.u32 s1, $0xD;
	s1 =	sshrl.u32 s1, $0x2  }
0xb8: {  	s3 =	sand.u32 $0x4000, s31;
	s1 =	sadd.s32 s1, s30  }
0xb9: {  	s0 =	sor.u32 s3, s0;
	s1 =	sshll.u32 s1, $0x11  }
0xba: {  	s0 =	sor.u32 s1, s0  }
0xbb: {  	s0 =	sadd.s32 $0x8F2B, s0  }
0xbc: {  	[sflag:s0] =	ssyncadd.remote.s32 $0x1  }
0xbd: {  	_ =	sfence.sel $0xFFFF  }
0xbe: {  	[dreg:$0x0] =	wrdreg $0xFFFFFFFF;
	(pc) =	sbr.abs _section_cstart, $3  }
0xbf: {  	[dreg:$0x1] =	wrdreg $0xFFFFFFFF  }
0xc0: {  	_ =	task.clear_ibuf [dreg:s6], $0x2FFFF;
	_ =	strace $0x9FFFFFFF  }
0xc1: {  	(tm) =	ssettm $0x7FFFFFFF  }
tec
execute0_lowered:
.L_overlay_start_1:
0x0: {  	(tag) =	ssettag $0x1  }
0x1: {  	s1 =	srdreg.scid;
	s0 =	stileid.u32  }
0x2: {  	s1 =	sand.u32 $0x1, s1;
	s2 =	sshll.u32 s0, $0x1  }
0x3: {  	s3 =	sor.u32 s1, s2  }
0x4: {  	s5 =	smul.u32 $0x340, s3  }
0x5: {  	s4 =	rddreg [dreg:$0x0];
	s2 =	simm.s32 $0x0;
	s6 =	smul.u32 $0x34000, s3  }
0x6: {  	[smem:$0x7FF] =	sst s2;
	s3 =	smul.u32 $0x6800, s3  }
0x7: {  	s7 =	sadd.s32 $0xA0CA00, s4;
	_ =	strace $0x80000047  }
0x8: {  	s5 =	sadd.s32 s5, s4;
	s6 =	sshrl.u32 s6, $0x3;
	s3 =	sadd.s32 s7, s3  }
0x9: {  	s5 =	sadd.s32 $0xA06200, s5;
	s31 =	sadd.s32 s7, s6;
	[dreg:$0x3] =	wrdreg s3  }
0xa: {  	[dreg:$0x2] =	wrdreg s5;
	s20 =	sadd.s32 $0x800, s31  }
0xb: {  	s21 =	sadd.s32 $0x1000, s31;
	[dreg:$0x4] =	wrdreg s20  }
0xc: {  	s22 =	sadd.s32 $0x1800, s31;
	[dreg:$0x5] =	wrdreg s21  }
0xd: {  	s23 =	sadd.s32 $0x2000, s31;
	[dreg:$0x6] =	wrdreg s22  }
0xe: {  	s24 =	sadd.s32 $0x2800, s31;
	[dreg:$0x7] =	wrdreg s23  }
0xf: {  	[dreg:$0x8] =	wrdreg s24  }
0x10: {  	s25 =	sadd.s32 $0x3000, s31;
	s5 =	rddreg [dreg:$0x2]  }
0x11: {  	s26 =	sadd.s32 $0x3800, s31;
	[dreg:$0x9] =	wrdreg s25  }
0x12: {  	s3 =	simm.s32 $0x7;
	[dreg:$0xa] =	wrdreg s26  }
0x13: {  	[tilespmem:s2], [sflag:$0x7] =	stream.linear.gather [hbm4b:s5+s2], $0x1A00, $0x38;
	[tilespmem:$0xDA00] =	vst v63  }
0x14: {  	_ =	swait.ge [sflag:s3], $0x1A00  }
0x15: {  	s4 =	sadd.s32 $0x2200, s4;
	[sflag:s3] =	ssyncset.done $0x0  }
0x16: {  	s6 =	simm.s32 $0x1A00;
	s5 =	simm.s32 $0x200;
	[sflag:s3] =	ssyncadd.s32 $0xFFFFE600  }
0x17: {  	[tilespmem:s6], [sflag:$0x1] =	stream.indirect.gather [hbm4b:s4+s5], $0x20, s2, s5, $0xb8;
	[tilespmem:$0xDA00] =	vst v63  }
0x18: {  	s7 =	simm.s32 $0x5A00  }
0x19: {  	[tilespmem:s7], [sflag:$0x2] =	stream.indirect.gather [hbm4b:s4+s5], $0x20, s5, s5, $0xb8;
	[tilespmem:$0xDA00] =	vst v63  }
0x1a: {  	s8 =	simm.s32 $0x400;
	s9 =	simm.s32 $0x9A00;
	s10 =	simm.s32 $0x1  }
0x1b: {  	[tilespmem:s9], [sflag:$0x3] =	stream.indirect.gather [hbm4b:s4+s5], $0x20, s8, s5, $0xb8;
	[tilespmem:$0xDA00] =	vst v63  }
0x1c: {  	_ =	swait.ge [sflag:s10], $0x4000  }
0x1d: {  	[sflag:s10] =	ssyncset.done $0x0  }
0x1e: {  	s11 =	simm.s32 $0x4;
	s12 =	rddreg [dreg:$0x3];
	[sflag:s10] =	ssyncadd.s32 $0xFFFFC000  }
0x1f: {  	[hbm4b:s12+s2] =	stream.linear.scatter [tilespmem:s6], [sflag:$0x4], $0x4000, $0x38;
	[tilespmem:$0xDA00] =	vst v63  }
0x20: {  	_ =	swait.ge [sflag:s11], $0x4000  }
0x21: {  	[sflag:s11] =	ssyncset.done $0x0  }
0x22: {  	s13 =	simm.s32 $0x2;
	s12 =	simm.s32 $0x600;
	[sflag:s11] =	ssyncadd.s32 $0xFFFFC000  }
0x23: {  	[tilespmem:s6], [sflag:$0x1] =	stream.indirect.gather [hbm4b:s4+s5], $0x20, s12, s5, $0xb8;
	[tilespmem:$0xDA00] =	vst v63  }
0x24: {  	_ =	swait.ge [sflag:s13], $0x4000  }
0x25: {  	[sflag:s13] =	ssyncset.done $0x0  }
0x26: {  	s14 =	simm.s32 $0x5;
	s15 =	rddreg [dreg:$0x4];
	[sflag:s13] =	ssyncadd.s32 $0xFFFFC000  }
0x27: {  	[hbm4b:s15+s2] =	stream.linear.scatter [tilespmem:s7], [sflag:$0x5], $0x4000, $0x38;
	[tilespmem:$0xDA00] =	vst v63  }
0x28: {  	_ =	swait.ge [sflag:s14], $0x4000  }
0x29: {  	[sflag:s14] =	ssyncset.done $0x0  }
0x2a: {  	s16 =	simm.s32 $0x3;
	s15 =	simm.s32 $0x800;
	[sflag:s14] =	ssyncadd.s32 $0xFFFFC000  }
0x2b: {  	[tilespmem:s7], [sflag:$0x2] =	stream.indirect.gather [hbm4b:s4+s5], $0x20, s15, s5, $0xb8;
	[tilespmem:$0xDA00] =	vst v63  }
0x2c: {  	_ =	swait.ge [sflag:s16], $0x4000  }
0x2d: {  	[sflag:s16] =	ssyncset.done $0x0  }
0x2e: {  	s17 =	simm.s32 $0x6;
	s18 =	rddreg [dreg:$0x5];
	[sflag:s16] =	ssyncadd.s32 $0xFFFFC000  }
0x2f: {  	[hbm4b:s18+s2] =	stream.linear.scatter [tilespmem:s9], [sflag:$0x6], $0x4000, $0x38;
	[tilespmem:$0xDA00] =	vst v63  }
0x30: {  	_ =	swait.ge [sflag:s17], $0x4000  }
0x31: {  	[sflag:s17] =	ssyncset.done $0x0  }
0x32: {  	s18 =	simm.s32 $0xA00;
	[sflag:s17] =	ssyncadd.s32 $0xFFFFC000  }
0x33: {  	[tilespmem:s9], [sflag:$0x3] =	stream.indirect.gather [hbm4b:s4+s5], $0x20, s18, s5, $0xb8;
	[tilespmem:$0xDA00] =	vst v63  }
0x34: {  	_ =	swait.ge [sflag:s10], $0x4000  }
0x35: {  	[sflag:s10] =	ssyncset.done $0x0  }
0x36: {  	s19 =	rddreg [dreg:$0x6];
	[sflag:s10] =	ssyncadd.s32 $0xFFFFC000  }
0x37: {  	[hbm4b:s19+s2] =	stream.linear.scatter [tilespmem:s6], [sflag:$0x4], $0x4000, $0x38;
	[tilespmem:$0xDA00] =	vst v63  }
0x38: {  	_ =	swait.ge [sflag:s11], $0x4000  }
0x39: {  	[sflag:s11] =	ssyncset.done $0x0  }
0x3a: {  	s19 =	simm.s32 $0xC00;
	[sflag:s11] =	ssyncadd.s32 $0xFFFFC000  }
0x3b: {  	[tilespmem:s6], [sflag:$0x1] =	stream.indirect.gather [hbm4b:s4+s5], $0x20, s19, s5, $0xb8;
	[tilespmem:$0xDA00] =	vst v63  }
0x3c: {  	_ =	swait.ge [sflag:s13], $0x4000  }
0x3d: {  	[sflag:s13] =	ssyncset.done $0x0  }
0x3e: {  	s20 =	rddreg [dreg:$0x7];
	[sflag:s13] =	ssyncadd.s32 $0xFFFFC000  }
0x3f: {  	[hbm4b:s20+s2] =	stream.linear.scatter [tilespmem:s7], [sflag:$0x5], $0x4000, $0x38;
	[tilespmem:$0xDA00] =	vst v63  }
0x40: {  	_ =	swait.ge [sflag:s14], $0x4000  }
0x41: {  	[sflag:s14] =	ssyncset.done $0x0  }
0x42: {  	s20 =	simm.s32 $0xE00;
	[sflag:s14] =	ssyncadd.s32 $0xFFFFC000  }
0x43: {  	[tilespmem:s7], [sflag:$0x2] =	stream.indirect.gather [hbm4b:s4+s5], $0x20, s20, s5, $0xb8;
	[tilespmem:$0xDA00] =	vst v63  }
0x44: {  	_ =	swait.ge [sflag:s16], $0x4000  }
0x45: {  	[sflag:s16] =	ssyncset.done $0x0  }
0x46: {  	s21 =	rddreg [dreg:$0x8];
	[sflag:s16] =	ssyncadd.s32 $0xFFFFC000  }
0x47: {  	[hbm4b:s21+s2] =	stream.linear.scatter [tilespmem:s9], [sflag:$0x6], $0x4000, $0x38;
	[tilespmem:$0xDA00] =	vst v63  }
0x48: {  	_ =	swait.ge [sflag:s17], $0x4000  }
0x49: {  	[sflag:s17] =	ssyncset.done $0x0  }
0x4a: {  	s21 =	simm.s32 $0x1000;
	[sflag:s17] =	ssyncadd.s32 $0xFFFFC000  }
0x4b: {  	[tilespmem:s9], [sflag:$0x3] =	stream.indirect.gather [hbm4b:s4+s5], $0x20, s21, s5, $0xb8;
	[tilespmem:$0xDA00] =	vst v63  }
0x4c: {  	_ =	swait.ge [sflag:s10], $0x4000  }
0x4d: {  	[sflag:s10] =	ssyncset.done $0x0  }
0x4e: {  	s22 =	rddreg [dreg:$0x9];
	[sflag:s10] =	ssyncadd.s32 $0xFFFFC000  }
0x4f: {  	[hbm4b:s22+s2] =	stream.linear.scatter [tilespmem:s6], [sflag:$0x4], $0x4000, $0x38;
	[tilespmem:$0xDA00] =	vst v63  }
0x50: {  	_ =	swait.ge [sflag:s11], $0x4000  }
0x51: {  	[sflag:s11] =	ssyncset.done $0x0  }
0x52: {  	s22 =	simm.s32 $0x1200;
	[sflag:s11] =	ssyncadd.s32 $0xFFFFC000  }
0x53: {  	[tilespmem:s6], [sflag:$0x1] =	stream.indirect.gather [hbm4b:s4+s5], $0x20, s22, s5, $0xb8;
	[tilespmem:$0xDA00] =	vst v63  }
0x54: {  	_ =	swait.ge [sflag:s13], $0x4000  }
0x55: {  	[sflag:s13] =	ssyncset.done $0x0  }
0x56: {  	s23 =	rddreg [dreg:$0xa];
	[sflag:s13] =	ssyncadd.s32 $0xFFFFC000  }
0x57: {  	[hbm4b:s23+s2] =	stream.linear.scatter [tilespmem:s7], [sflag:$0x5], $0x4000, $0x38;
	[tilespmem:$0xDA00] =	vst v63  }
0x58: {  	_ =	swait.ge [sflag:s14], $0x4000  }
0x59: {  	[sflag:s14] =	ssyncset.done $0x0  }
0x5a: {  	s23 =	simm.s32 $0x1400;
	[sflag:s14] =	ssyncadd.s32 $0xFFFFC000  }
0x5b: {  	[tilespmem:s7], [sflag:$0x2] =	stream.indirect.gather [hbm4b:s4+s5], $0x20, s23, s5, $0xb8;
	[tilespmem:$0xDA00] =	vst v63  }
0x5c: {  	_ =	swait.ge [sflag:s16], $0x4000  }
0x5d: {  	[sflag:s16] =	ssyncset.done $0x0  }
0x5e: {  	s24 =	sadd.s32 $0x4000, s31;
	[sflag:s16] =	ssyncadd.s32 $0xFFFFC000  }
0x5f: {  	[hbm4b:s24+s2] =	stream.linear.scatter [tilespmem:s9], [sflag:$0x6], $0x4000, $0x38;
	[tilespmem:$0xDA00] =	vst v63  }
0x60: {  	_ =	swait.ge [sflag:s17], $0x4000  }
0x61: {  	[sflag:s17] =	ssyncset.done $0x0  }
0x62: {  	s25 =	simm.s32 $0x1600;
	[sflag:s17] =	ssyncadd.s32 $0xFFFFC000  }
0x63: {  	[tilespmem:s9], [sflag:$0x3] =	stream.indirect.gather [hbm4b:s4+s5], $0x20, s25, s5, $0xb8;
	[tilespmem:$0xDA00] =	vst v63  }
0x64: {  	_ =	swait.ge [sflag:s10], $0x4000  }
0x65: {  	[sflag:s10] =	ssyncset.done $0x0  }
0x66: {  	s26 =	sadd.s32 $0x4800, s31;
	[sflag:s10] =	ssyncadd.s32 $0xFFFFC000  }
0x67: {  	[hbm4b:s26+s2] =	stream.linear.scatter [tilespmem:s6], [sflag:$0x4], $0x4000, $0x38;
	[tilespmem:$0xDA00] =	vst v63  }
0x68: {  	_ =	swait.ge [sflag:s11], $0x4000  }
0x69: {  	[sflag:s11] =	ssyncset.done $0x0  }
0x6a: {  	s28 =	simm.s32 $0x1800;
	[sflag:s11] =	ssyncadd.s32 $0xFFFFC000  }
0x6b: {  	[tilespmem:s6], [sflag:$0x1] =	stream.indirect.gather [hbm4b:s4+s5], $0x20, s28, s5, $0xb8;
	[tilespmem:$0xDA00] =	vst v63  }
0x6c: {  	_ =	swait.ge [sflag:s13], $0x4000  }
0x6d: {  	[sflag:s13] =	ssyncset.done $0x0  }
0x6e: {  	s29 =	sadd.s32 $0x5000, s31;
	[sflag:s13] =	ssyncadd.s32 $0xFFFFC000  }
0x6f: {  	[hbm4b:s29+s2] =	stream.linear.scatter [tilespmem:s7], [sflag:$0x5], $0x4000, $0x38;
	[tilespmem:$0xDA00] =	vst v63  }
0x70: {  	_ =	swait.ge [sflag:s16], $0x4000  }
0x71: {  	[sflag:s16] =	ssyncset.done $0x0  }
0x72: {  	s30 =	sadd.s32 $0x5800, s31;
	[sflag:s16] =	ssyncadd.s32 $0xFFFFC000  }
0x73: {  	[hbm4b:s30+s2] =	stream.linear.scatter [tilespmem:s9], [sflag:$0x6], $0x4000, $0x38;
	[tilespmem:$0xDA00] =	vst v63  }
0x74: {  	s1 =	ssub.s32 $0x2, s1;
	_ =	swait.ge [sflag:s10], $0x4000  }
0x75: {  	s0 =	sshrl.u32 s1, $0x1;
	[sflag:s10] =	ssyncset.done $0x0  }
0x76: {  	s0 =	ssub.s32 s1, s0;
	s31 =	sadd.s32 $0x6000, s31;
	[sflag:s10] =	ssyncadd.s32 $0xFFFFC000  }
0x77: {  	[hbm4b:s31+s2] =	stream.linear.scatter [tilespmem:s6], [sflag:$0x4], $0x4000, $0x38;
	[tilespmem:$0xDA00] =	vst v63  }
0x78: {  	s0 =	smax.u32 s0, $0x1;
	_ =	swait.ge [sflag:s11], $0x4000  }
0x79: {  	p0 =	sne.s32 s0, $0x1;
	[sflag:s11] =	ssyncset.done $0x0  }
.Ltmp0:
0x7a: {  	[sflag:s11] =	ssyncadd.s32 $0xFFFFC000;
	(pc) =	sbr.rel @!p0 .LBB2_2-.Ltmp0, $4  }
0x7b: {  	_ =	swait.ge [sflag:s14], $0x4000  }
0x7c: {  	[sflag:s14] =	ssyncset.done $0x0  }
0x7d: {  	[sflag:s14] =	ssyncadd.s32 $0xFFFFC000  }
0x7e: {  	s1 =	sadd.s32 $0xFFFFFFFF, s0;
	_ =	swait.ge [sflag:s17], $0x4000  }
.LBB2_1:
0x7f: {  	[sflag:s17] =	ssyncset.done $0x0  }
0x80: {  	s0 =	rddreg [dreg:$0x2];
	[sflag:s17] =	ssyncadd.s32 $0xFFFFC000  }
0x81: {  	[tilespmem:s2], [sflag:$0x7] =	stream.linear.gather [hbm4b:s0+s2], $0x1A00, $0x38;
	[tilespmem:$0xDA00] =	vst v63  }
0x82: {  	_ =	swait.ge [sflag:s3], $0x1A00  }
0x83: {  	[sflag:s3] =	ssyncset.done $0x0  }
0x84: {  	[sflag:s3] =	ssyncadd.s32 $0xFFFFE600  }
0x85: {  	[tilespmem:s6], [sflag:$0x1] =	stream.indirect.gather [hbm4b:s4+s5], $0x20, s2, s5, $0xb8;
	[tilespmem:$0xDA00] =	vst v63  }
0x86: {  	_ = 	snop  }
0x87: {  	[tilespmem:s7], [sflag:$0x2] =	stream.indirect.gather [hbm4b:s4+s5], $0x20, s5, s5, $0xb8;
	[tilespmem:$0xDA00] =	vst v63  }
0x88: {  	_ = 	snop  }
0x89: {  	[tilespmem:s9], [sflag:$0x3] =	stream.indirect.gather [hbm4b:s4+s5], $0x20, s8, s5, $0xb8;
	[tilespmem:$0xDA00] =	vst v63  }
0x8a: {  	_ =	swait.ge [sflag:s10], $0x4000  }
0x8b: {  	[sflag:s10] =	ssyncset.done $0x0  }
0x8c: {  	s0 =	rddreg [dreg:$0x3];
	[sflag:s10] =	ssyncadd.s32 $0xFFFFC000  }
0x8d: {  	[hbm4b:s0+s2] =	stream.linear.scatter [tilespmem:s6], [sflag:$0x4], $0x4000, $0x38;
	[tilespmem:$0xDA00] =	vst v63  }
0x8e: {  	_ =	swait.ge [sflag:s11], $0x4000  }
0x8f: {  	[sflag:s11] =	ssyncset.done $0x0  }
0x90: {  	[sflag:s11] =	ssyncadd.s32 $0xFFFFC000  }
0x91: {  	[tilespmem:s6], [sflag:$0x1] =	stream.indirect.gather [hbm4b:s4+s5], $0x20, s12, s5, $0xb8;
	[tilespmem:$0xDA00] =	vst v63  }
0x92: {  	_ =	swait.ge [sflag:s13], $0x4000  }
0x93: {  	[sflag:s13] =	ssyncset.done $0x0  }
0x94: {  	s0 =	rddreg [dreg:$0x4];
	[sflag:s13] =	ssyncadd.s32 $0xFFFFC000  }
0x95: {  	[hbm4b:s0+s2] =	stream.linear.scatter [tilespmem:s7], [sflag:$0x5], $0x4000, $0x38;
	[tilespmem:$0xDA00] =	vst v63  }
0x96: {  	_ =	swait.ge [sflag:s14], $0x4000  }
0x97: {  	[sflag:s14] =	ssyncset.done $0x0  }
0x98: {  	[sflag:s14] =	ssyncadd.s32 $0xFFFFC000  }
0x99: {  	[tilespmem:s7], [sflag:$0x2] =	stream.indirect.gather [hbm4b:s4+s5], $0x20, s15, s5, $0xb8;
	[tilespmem:$0xDA00] =	vst v63  }
0x9a: {  	_ =	swait.ge [sflag:s16], $0x4000  }
0x9b: {  	[sflag:s16] =	ssyncset.done $0x0  }
0x9c: {  	s0 =	rddreg [dreg:$0x5];
	[sflag:s16] =	ssyncadd.s32 $0xFFFFC000  }
0x9d: {  	[hbm4b:s0+s2] =	stream.linear.scatter [tilespmem:s9], [sflag:$0x6], $0x4000, $0x38;
	[tilespmem:$0xDA00] =	vst v63  }
0x9e: {  	_ =	swait.ge [sflag:s17], $0x4000  }
0x9f: {  	[sflag:s17] =	ssyncset.done $0x0  }
0xa0: {  	[sflag:s17] =	ssyncadd.s32 $0xFFFFC000  }
0xa1: {  	[tilespmem:s9], [sflag:$0x3] =	stream.indirect.gather [hbm4b:s4+s5], $0x20, s18, s5, $0xb8;
	[tilespmem:$0xDA00] =	vst v63  }
0xa2: {  	_ =	swait.ge [sflag:s10], $0x4000  }
0xa3: {  	[sflag:s10] =	ssyncset.done $0x0  }
0xa4: {  	s0 =	rddreg [dreg:$0x6];
	[sflag:s10] =	ssyncadd.s32 $0xFFFFC000  }
0xa5: {  	[hbm4b:s0+s2] =	stream.linear.scatter [tilespmem:s6], [sflag:$0x4], $0x4000, $0x38;
	[tilespmem:$0xDA00] =	vst v63  }
0xa6: {  	_ =	swait.ge [sflag:s11], $0x4000  }
0xa7: {  	[sflag:s11] =	ssyncset.done $0x0  }
0xa8: {  	[sflag:s11] =	ssyncadd.s32 $0xFFFFC000  }
0xa9: {  	[tilespmem:s6], [sflag:$0x1] =	stream.indirect.gather [hbm4b:s4+s5], $0x20, s19, s5, $0xb8;
	[tilespmem:$0xDA00] =	vst v63  }
0xaa: {  	_ =	swait.ge [sflag:s13], $0x4000  }
0xab: {  	[sflag:s13] =	ssyncset.done $0x0  }
0xac: {  	s0 =	rddreg [dreg:$0x7];
	[sflag:s13] =	ssyncadd.s32 $0xFFFFC000  }
0xad: {  	[hbm4b:s0+s2] =	stream.linear.scatter [tilespmem:s7], [sflag:$0x5], $0x4000, $0x38;
	[tilespmem:$0xDA00] =	vst v63  }
0xae: {  	_ =	swait.ge [sflag:s14], $0x4000  }
0xaf: {  	[sflag:s14] =	ssyncset.done $0x0  }
0xb0: {  	[sflag:s14] =	ssyncadd.s32 $0xFFFFC000  }
0xb1: {  	[tilespmem:s7], [sflag:$0x2] =	stream.indirect.gather [hbm4b:s4+s5], $0x20, s20, s5, $0xb8;
	[tilespmem:$0xDA00] =	vst v63  }
0xb2: {  	_ =	swait.ge [sflag:s16], $0x4000  }
0xb3: {  	[sflag:s16] =	ssyncset.done $0x0  }
0xb4: {  	s0 =	rddreg [dreg:$0x8];
	[sflag:s16] =	ssyncadd.s32 $0xFFFFC000  }
0xb5: {  	[hbm4b:s0+s2] =	stream.linear.scatter [tilespmem:s9], [sflag:$0x6], $0x4000, $0x38;
	[tilespmem:$0xDA00] =	vst v63  }
0xb6: {  	_ =	swait.ge [sflag:s17], $0x4000  }
0xb7: {  	[sflag:s17] =	ssyncset.done $0x0  }
0xb8: {  	[sflag:s17] =	ssyncadd.s32 $0xFFFFC000  }
0xb9: {  	[tilespmem:s9], [sflag:$0x3] =	stream.indirect.gather [hbm4b:s4+s5], $0x20, s21, s5, $0xb8;
	[tilespmem:$0xDA00] =	vst v63  }
0xba: {  	_ =	swait.ge [sflag:s10], $0x4000  }
0xbb: {  	[sflag:s10] =	ssyncset.done $0x0  }
0xbc: {  	s0 =	rddreg [dreg:$0x9];
	[sflag:s10] =	ssyncadd.s32 $0xFFFFC000  }
0xbd: {  	[hbm4b:s0+s2] =	stream.linear.scatter [tilespmem:s6], [sflag:$0x4], $0x4000, $0x38;
	[tilespmem:$0xDA00] =	vst v63  }
0xbe: {  	_ =	swait.ge [sflag:s11], $0x4000  }
0xbf: {  	[sflag:s11] =	ssyncset.done $0x0  }
0xc0: {  	[sflag:s11] =	ssyncadd.s32 $0xFFFFC000  }
0xc1: {  	[tilespmem:s6], [sflag:$0x1] =	stream.indirect.gather [hbm4b:s4+s5], $0x20, s22, s5, $0xb8;
	[tilespmem:$0xDA00] =	vst v63  }
0xc2: {  	_ =	swait.ge [sflag:s13], $0x4000  }
0xc3: {  	[sflag:s13] =	ssyncset.done $0x0  }
0xc4: {  	s0 =	rddreg [dreg:$0xa];
	[sflag:s13] =	ssyncadd.s32 $0xFFFFC000  }
0xc5: {  	[hbm4b:s0+s2] =	stream.linear.scatter [tilespmem:s7], [sflag:$0x5], $0x4000, $0x38;
	[tilespmem:$0xDA00] =	vst v63  }
0xc6: {  	_ =	swait.ge [sflag:s14], $0x4000  }
0xc7: {  	[sflag:s14] =	ssyncset.done $0x0  }
0xc8: {  	[sflag:s14] =	ssyncadd.s32 $0xFFFFC000  }
0xc9: {  	[tilespmem:s7], [sflag:$0x2] =	stream.indirect.gather [hbm4b:s4+s5], $0x20, s23, s5, $0xb8;
	[tilespmem:$0xDA00] =	vst v63  }
0xca: {  	_ =	swait.ge [sflag:s16], $0x4000  }
0xcb: {  	[sflag:s16] =	ssyncset.done $0x0  }
0xcc: {  	[sflag:s16] =	ssyncadd.s32 $0xFFFFC000  }
0xcd: {  	[hbm4b:s24+s2] =	stream.linear.scatter [tilespmem:s9], [sflag:$0x6], $0x4000, $0x38;
	[tilespmem:$0xDA00] =	vst v63  }
0xce: {  	_ =	swait.ge [sflag:s17], $0x4000  }
0xcf: {  	[sflag:s17] =	ssyncset.done $0x0  }
0xd0: {  	[sflag:s17] =	ssyncadd.s32 $0xFFFFC000  }
0xd1: {  	[tilespmem:s9], [sflag:$0x3] =	stream.indirect.gather [hbm4b:s4+s5], $0x20, s25, s5, $0xb8;
	[tilespmem:$0xDA00] =	vst v63  }
0xd2: {  	_ =	swait.ge [sflag:s10], $0x4000  }
0xd3: {  	[sflag:s10] =	ssyncset.done $0x0  }
0xd4: {  	[sflag:s10] =	ssyncadd.s32 $0xFFFFC000  }
0xd5: {  	[hbm4b:s26+s2] =	stream.linear.scatter [tilespmem:s6], [sflag:$0x4], $0x4000, $0x38;
	[tilespmem:$0xDA00] =	vst v63  }
0xd6: {  	_ =	swait.ge [sflag:s11], $0x4000  }
0xd7: {  	[sflag:s11] =	ssyncset.done $0x0  }
0xd8: {  	[sflag:s11] =	ssyncadd.s32 $0xFFFFC000  }
0xd9: {  	[tilespmem:s6], [sflag:$0x1] =	stream.indirect.gather [hbm4b:s4+s5], $0x20, s28, s5, $0xb8;
	[tilespmem:$0xDA00] =	vst v63  }
0xda: {  	_ =	swait.ge [sflag:s13], $0x4000  }
0xdb: {  	[sflag:s13] =	ssyncset.done $0x0  }
0xdc: {  	[sflag:s13] =	ssyncadd.s32 $0xFFFFC000  }
0xdd: {  	[hbm4b:s29+s2] =	stream.linear.scatter [tilespmem:s7], [sflag:$0x5], $0x4000, $0x38;
	[tilespmem:$0xDA00] =	vst v63  }
0xde: {  	_ =	swait.ge [sflag:s16], $0x4000  }
0xdf: {  	[sflag:s16] =	ssyncset.done $0x0  }
0xe0: {  	[sflag:s16] =	ssyncadd.s32 $0xFFFFC000  }
0xe1: {  	[hbm4b:s30+s2] =	stream.linear.scatter [tilespmem:s9], [sflag:$0x6], $0x4000, $0x38;
	[tilespmem:$0xDA00] =	vst v63  }
0xe2: {  	_ =	swait.ge [sflag:s10], $0x4000  }
0xe3: {  	[sflag:s10] =	ssyncset.done $0x0  }
0xe4: {  	[sflag:s10] =	ssyncadd.s32 $0xFFFFC000  }
0xe5: {  	[hbm4b:s31+s2] =	stream.linear.scatter [tilespmem:s6], [sflag:$0x4], $0x4000, $0x38;
	[tilespmem:$0xDA00] =	vst v63  }
0xe6: {  	_ =	swait.ge [sflag:s11], $0x4000  }
0xe7: {  	p0 =	sne.s32 s1, $0x1;
	[sflag:s11] =	ssyncset.done $0x0  }
.Ltmp1:
0xe8: {  	[sflag:s11] =	ssyncadd.s32 $0xFFFFC000;
	(pc) =	sbr.rel @p0 .LBB2_1-.Ltmp1, $4  }
0xe9: {  	_ =	swait.ge [sflag:s14], $0x4000  }
0xea: {  	[sflag:s14] =	ssyncset.done $0x0  }
0xeb: {  	[sflag:s14] =	ssyncadd.s32 $0xFFFFC000  }
0xec: {  	s1 =	sadd.s32 $0xFFFFFFFF, s1;
	_ =	swait.ge [sflag:s17], $0x4000  }
.LBB2_2:
0xed: {  	[sflag:s17] =	ssyncset.done $0x0  }
0xee: {  	[sflag:s17] =	ssyncadd.s32 $0xFFFFC000  }
0xef: {  	_ =	sfence.sel $0x180000  }
0xf0: {  	[bflag:$0x0] =	sbarrier.arrive $0xFFFF  }
0xf1: {  	_ =	strace $0x90000047  }
0xf2: {  	s0 =	stileid.u32;
	[bflag:$0x2] =	sbarrier.arrive $0xFFFF  }
0xf3: {  	p0 =	sne.s32 s0, $0x0;
	s0 =	rddreg [dreg:$0x1]  }
0xf4: {  	s0 =	sadd.s32 @!p0 $0x100000, s0  }
0xf5: {  	[sflag:s0] =	ssyncadd.tile.s32 @!p0 $0x1;
	_ =	shalt  }
.Lfunc_end2:
_tile_overlayer_lowered:
.L_overlay_start_2:
0xf6: {  	(tag) =	ssettag $0x2  }
0xf7: {  	s0 =	rddreg [dreg:$0x0];
	s2 =	stileid.u32  }
0xf8: {  	s1 =	rddreg [dreg:$0x1];
	p0 =	sne.s32 s2, $0x0  }
0xf9: {  	s3 =	rddreg [dreg:$0x2];
	[bflag:$0x3] =	sbarrier.arrive $0xFFFF;
	s2 =	simm.s32 @!p0 $0x1C07  }
0xfa: {  	[timem:s3], [sflag:s2] =	dma.local @!p0 [hbm:s0], s1  }
0xfb: {  	s0 =	simm.s32 @!p0 $0x7  }
0xfc: {  	_ =	swait.ge @!p0 [sflag:s0], s1  }
0xfd: {  	s1 =	ssub.s32 @!p0 $0x0, s1;
	[sflag:s0] =	ssyncset.done @!p0 $0x0  }
0xfe: {  	[sflag:s0] =	ssyncadd.s32 @!p0 s1  }
0xff: {  	[bflag:$0x3] =	sbarrier.arrive $0xFFFF  }
0x100: {  	_ =	shalt  }

// kernel: kernel.7.cloned.1.call-start
scs
__scs_entry_jumppad:
0x0: {  	(pc) =	sbr.rel $0x88, $3  }
0x1: {  	(tag) =	ssettag $0x0;
	lr =	simm.s32 $0x1  }
0x2: {  	[smem:$0x3F98] =	sst lr;
	_ =	strace $0xD0000000  }
0x3: {  	_ = 	snop  }
0x4: {  	_ = 	snop  }
0x5: {  	_ = 	snop  }
0x6: {  	_ = 	snop  }
0x7: {  	_ = 	snop  }
__scs_overlays_trampoline_lowered:
0x8: {  	[smem:$0x3FA7] =	sst s0  }
0x9: {  	[smem:$0x3FA8] =	sst s1  }
0xa: {  	[smem:$0x3FA9] =	sst s2  }
0xb: {  	[smem:$0x3FAA] =	sst s3  }
0xc: {  	[smem:$0x3FAB] =	sst s4  }
0xd: {  	[smem:$0x3FAC] =	sst s5  }
0xe: {  	[smem:$0x3FAD] =	sst s6  }
0xf: {  	[smem:$0x3FAE] =	sst s7  }
0x10: {  	[smem:$0x3FAF] =	sst s8  }
0x11: {  	[smem:$0x3FB0] =	sst s9;
	s0 =	simm.s32 @!p0 $0x0  }
0x12: {  	s1 =	sld [smem:$0x3F96];
	s0 =	simm.s32 @p0 $0x1  }
0x13: {  	[smem:$0x3FB1] =	sst s0;
	s0 =	simm.s32 @!p1 $0x0  }
0x14: {  	s2 =	sld [smem:$0x3F95];
	s0 =	simm.s32 @p1 $0x1  }
0x15: {  	[smem:$0x3FB2] =	sst s0;
	s0 =	simm.s32 @!p2 $0x0  }
0x16: {  	s3 =	sld [smem:$0x3FDB];
	s0 =	simm.s32 @p2 $0x1  }
0x17: {  	s4 =	simm.s32 $0x1BF5;
	[smem:$0x3FB4] =	sst s0  }
0x18: {  	s0 =	sld [smem:$0x3F97];
	_ =	swait.ge [sflag:s4], $0x0  }
0x19: {  	s7 =	sld [smem:$0x3F98]  }
0x1a: {  	s8 =	sadd.s32 $0xFFFFE003, lr  }
0x1b: {  	s9 =	sadd.s32 $0xFFFFFEF7, lr;
	s5 =	simm.s32 $0xFFFFFFFF;
	p2 =	slt.u32 s8, $0xFFFFF086  }
0x1c: {  	p1 =	slt.u32 s9, $0xF7A;
	s5 =	simm.s32 @!p2 $0x0  }
0x1d: {  	s5 =	simm.s32 @p1 $0x1;
	p0 =	seq.s32 s7, s2  }
0x1e: {  	s7 =	smul.u32 @!p0 $0xF7A, s2;
	p2 =	seq.s32 @!p0 s5, $0x0  }
0x1f: {  	s9 =	smul.u32 $0xF7A, s1;
	s8 =	simm.s32 @!p0 $0x1BF5;
	p2 =	por !p2, p0  }
0x20: {  	[sflag:s8] =	ssyncset.s32 @!p0 $0xFFFFF086;
	s6 =	sadd.s32 @!p0 s3, s7;
	s7 =	simm.s32 @!p0 $0x108  }
0x21: {  	s3 =	sadd.s32 s3, s9;
	s6 =	sadd.s32 @!p0 $0x88, s6;
	s7 =	simm.s32 @p2 $0x1082  }
0x22: {  	[simem:s7], [sflag:s8] =	dma.local @!p0 [hbm:s6], $0xF7A  }
0x23: {  	s9 =	sor.u32 $0xD0000000, s2;
	s6 =	simm.s32 $0x108;
	_ =	swait.ge @!p0 [sflag:s8], $0x0  }
0x24: {  	s3 =	sadd.s32 $0x88, s3;
	s6 =	simm.s32 @!p1 $0x1082;
	[sflag:s4] =	ssyncset.s32 $0xFFFFF086  }
0x25: {  	[simem:s6], [sflag:s4] =	dma.local [hbm:s3], $0xF7A  }
0x26: {  	[smem:$0x3F98] =	sst s1;
	(tag) =	ssettag s2;
	_ =	strace s9  }
0x27: {  	s1 =	sld [smem:$0x3FA8]  }
0x28: {  	s2 =	sld [smem:$0x3FA9]  }
0x29: {  	s4 =	sld [smem:$0x3FAB]  }
0x2a: {  	p0 =	seq.s32 s5, $0x0;
	s5 =	sld [smem:$0x3FAC]  }
0x2b: {  	s6 =	sld [smem:$0x3FAD]  }
0x2c: {  	s7 =	sld [smem:$0x3FAE]  }
0x2d: {  	s3 =	simm.s32 $0x108;
	s8 =	sld [smem:$0x3FAF]  }
0x2e: {  	s3 =	simm.s32 @!p0 $0x1082;
	s9 =	sld [smem:$0x3FB0]  }
0x2f: {  	lr =	sadd.s32 s0, s3;
	s0 =	sld [smem:$0x3FA7]  }
0x30: {  	s3 =	sld [smem:$0x3FAA]  }
0x31: {  	[smem:$0x3FB3] =	sst s10  }
0x32: {  	s10 =	sld [smem:$0x3FB1];
	_ =	sdelay $0x3  }
0x33: {  	p0 =	seq.s32 s10, $0x1;
	s10 =	sld [smem:$0x3FB3];
	_ =	sdelay $0x3  }
0x34: {  	[smem:$0x3FB3] =	sst s10  }
0x35: {  	s10 =	sld [smem:$0x3FB2];
	_ =	sdelay $0x3  }
0x36: {  	p1 =	seq.s32 s10, $0x1;
	s10 =	sld [smem:$0x3FB3];
	_ =	sdelay $0x3  }
0x37: {  	[smem:$0x3FB3] =	sst s10  }
0x38: {  	s10 =	sld [smem:$0x3FB4]  }
0x39: {  	_ = 	snop;
	(pc) =	sbr.ind lr, $3  }
0x3a: {  	_ = 	snop  }
0x3b: {  	_ = 	snop  }
0x3c: {  	p2 =	seq.s32 s10, $0x1;
	s10 =	sld [smem:$0x3FB3]  }
0x3d: {  	_ =	shalt  }
0x3e: {  	_ =	shalt  }
0x3f: {  	_ =	shalt  }
0x40: {  	_ =	shalt  }
0x41: {  	_ =	shalt  }
0x42: {  	_ =	shalt  }
0x43: {  	_ =	shalt  }
0x44: {  	_ =	shalt  }
0x45: {  	_ =	shalt  }
0x46: {  	_ =	shalt  }
0x47: {  	_ =	shalt  }
0x48: {  	_ =	shalt  }
0x49: {  	_ =	shalt  }
0x4a: {  	_ =	shalt  }
0x4b: {  	_ =	shalt  }
0x4c: {  	_ =	shalt  }
0x4d: {  	_ =	shalt  }
0x4e: {  	_ =	shalt  }
0x4f: {  	_ =	shalt  }
0x50: {  	_ =	shalt  }
0x51: {  	_ =	shalt  }
0x52: {  	_ =	shalt  }
0x53: {  	_ =	shalt  }
0x54: {  	_ =	shalt  }
0x55: {  	_ =	shalt  }
0x56: {  	_ =	shalt  }
0x57: {  	_ =	shalt  }
0x58: {  	_ =	shalt  }
0x59: {  	_ =	shalt  }
0x5a: {  	_ =	shalt  }
0x5b: {  	_ =	shalt  }
0x5c: {  	_ =	shalt  }
0x5d: {  	_ =	shalt  }
0x5e: {  	_ =	shalt  }
0x5f: {  	_ =	shalt  }
0x60: {  	_ =	shalt  }
0x61: {  	_ =	shalt  }
0x62: {  	_ =	shalt  }
0x63: {  	_ =	shalt  }
0x64: {  	_ =	shalt  }
0x65: {  	_ =	shalt  }
0x66: {  	_ =	shalt  }
0x67: {  	_ =	shalt  }
0x68: {  	_ =	shalt  }
0x69: {  	_ =	shalt  }
0x6a: {  	_ =	shalt  }
0x6b: {  	_ =	shalt  }
0x6c: {  	_ =	shalt  }
0x6d: {  	_ =	shalt  }
0x6e: {  	_ =	shalt  }
0x6f: {  	_ =	shalt  }
0x70: {  	_ =	shalt  }
0x71: {  	_ =	shalt  }
0x72: {  	_ =	shalt  }
0x73: {  	_ =	shalt  }
0x74: {  	_ =	shalt  }
0x75: {  	_ =	shalt  }
0x76: {  	_ =	shalt  }
0x77: {  	_ =	shalt  }
0x78: {  	_ =	shalt  }
0x79: {  	_ =	shalt  }
0x7a: {  	_ =	shalt  }
0x7b: {  	_ =	shalt  }
0x7c: {  	_ =	shalt  }
0x7d: {  	_ =	shalt  }
0x7e: {  	_ =	shalt  }
0x7f: {  	_ =	shalt  }
0x80: {  	_ =	shalt  }
0x81: {  	_ =	shalt  }
0x82: {  	_ =	shalt  }
0x83: {  	_ =	shalt  }
0x84: {  	_ =	shalt  }
0x85: {  	_ =	shalt  }
0x86: {  	_ =	shalt  }
0x87: {  	_ =	shalt  }
.Lfunc_end0:
.L_simem_size_0:
called_computation_lowered:
.L_overlay_start_0:
0x88: {  	s2 =	sld [smem:$0x3FD9]  }
0x89: {  	s3 =	sld [smem:$0x3FFE];
	_ =	sdelay $0x1  }
0x8a: {  	s1 =	srdreg.scid  }
0x8b: {  	s0 =	sand.u32 $0x1, s1  }
0x8c: {  	s17 =	sshll.u32 s0, $0xA;
	s2 =	sadd.s32 s3, s2  }
0x8d: {  	s2 =	sadd.s32 s2, s17  }
0x8e: {  	[smem:$0x3FBF] =	sst s2  }
0x8f: {  	_ = 	snop  }
0x90: {  	(tm) =	ssettm $0x1  }
0x91: {  	s18 =	sld [smem:$0x3FFB];
	_ =	sdelay $0x3  }
0x92: {  	_ =	strace s18  }
0x93: {  	s2 =	sld [smem:$0x3FFC];
	_ =	sdelay $0x3  }
0x94: {  	_ =	strace s2  }
0x95: {  	s2 =	sld [smem:$0x3FFD];
	_ =	sdelay $0x3  }
0x96: {  	_ =	strace s2  }
0x97: {  	_ =	strace $0x8FFFFFFF  }
0x98: {  	s19 =	sld [smem:$0x3FDB];
	_ =	sdelay $0x1  }
0x99: {  	s20 =	simm.s32 $_scs_section_size  }
0x9a: {  	s4 =	simm.s32 $_size__tile_overlayer_lowered;
	s5 =	simm.s32 $_tile_overlayer_lowered  }
0x9b: {  	s6 =	simm.s32 $0x1BFF;
	s21 =	sshll.u32 s5, $0x1;
	s3 =	sadd.s32 s20, s19  }
0x9c: {  	s22 =	simm.s32 $0x0;
	s4 =	sshll.u32 s4, $0x1;
	s5 =	sadd.s32 s21, s3  }
0x9d: {  	[timem:s22], [sflag:s6] =	dma.local [hbm:s5], s4  }
0x9e: {  	_ =	swait.ge [sflag:s6], s4  }
0x9f: {  	s4 =	ssub.s32 $0x0, s4;
	[sflag:s6] =	ssyncset.done $0x0  }
0xa0: {  	[sflag:s6] =	ssyncadd.s32 s4;
	_ =	sdelay $0x1  }
0xa1: {  	s23 =	simm.s32 $0x1B8B  }
0xa2: {  	_ =	swait.ge [sflag:s23], $0x1  }
0xa3: {  	[sflag:s23] =	ssyncset.done $0x0  }
0xa4: {  	[sflag:s23] =	ssyncadd.s32 $0xFFFFFFFF  }
0xa5: {  	s4 =	sld [smem:$0x0]  }
0xa6: {  	s5 =	sand.u32 $0xFFFFFFFE, s1  }
0xa7: {  	p0 =	sne.s32 s1, s5  }
0xa8: {  	s5 =	sshll.u32 @p0 s5, $0xE  }
0xa9: {  	s5 =	sadd.s32 @p0 $0x11B8D, s5;
	s6 =	sshll.u32 @p0 s4, $0x11  }
0xaa: {  	s5 =	sor.u32 @p0 s6, s5  }
0xab: {  	[sflag:s5] =	ssyncadd.remote.s32 @p0 $0x1;
	_ =	sdelay $0x1  }
0xac: {  	s5 =	simm.s32 @p0 $0x1B8D  }
0xad: {  	_ =	swait.eq @p0 [sflag:s5], $0x1  }
0xae: {  	[sflag:s5] =	ssyncadd.s32 @p0 $0xFFFFFFFF  }
0xaf: {  	s6 =	sshll.u32 @!p0 s1, $0xE  }
0xb0: {  	s6 =	sor.u32 @!p0 $0x4000, s6;
	s5 =	simm.s32 @!p0 $0x1B8D  }
0xb1: {  	s4 =	sshll.u32 @!p0 s4, $0x11;
	s6 =	sadd.s32 @!p0 $0x11B8D, s6;
	_ =	swait.eq @!p0 [sflag:s5], $0x1  }
0xb2: {  	s4 =	sor.u32 @!p0 s4, s6;
	[sflag:s5] =	ssyncadd.s32 @!p0 $0xFFFFFFFF  }
0xb3: {  	s25 =	simm.s32 $0x1B8E;
	s24 =	sld [smem:$0x3FFE];
	[sflag:s4] =	ssyncadd.remote.s32 @!p0 $0x1  }
0xb4: {  	s26 =	simm.s32 $execute0_lowered;
	[smem:$0x3FD2] =	sst s25  }
0xb5: {  	s5 =	sshll.u32 s26, $0x1;
	_ =	strace $0x80000049;
	[dreg:$0x1] =	wrdreg $0xFFFFFFFF  }
0xb6: {  	s28 =	simm.s32 $_size_execute0_lowered;
	s3 =	sadd.s32 s3, s5;
	[dreg:$0x0] =	wrdreg $0x0  }
0xb7: {  	s5 =	sshll.u32 s28, $0x1;
	[dreg:$0x2] =	wrdreg s3  }
0xb8: {  	[dreg:$0x3] =	wrdreg s5  }
0xb9: {  	[dreg:$0x4] =	wrdreg $0xC0  }
0xba: {  	_ =	task [dreg:s22], $0x5FFFF  }
0xbb: {  	[dreg:$0x1] =	wrdreg $0xFFFFFFFF  }
0xbc: {  	[dreg:$0x0] =	wrdreg $0x60  }
0xbd: {  	[dreg:$0x2] =	wrdreg s24  }
0xbe: {  	[dreg:$0x3] =	wrdreg $0x9  }
0xbf: {  	_ =	task.clear_ibuf [dreg:s22], $0x4FFFF;
	_ =	strace $0x90000049  }
0xc0: {  	s29 =	simm.s32 $0x9;
	_ =	strace $0x8000004B  }
0xc1: {  	_ =	swait.ge [sflag:s29], $0x1  }
0xc2: {  	[sflag:s29] =	ssyncadd.s32 $0xFFFFFFFF  }
0xc3: {  	_ =	strace $0x9000004B  }
0xc4: {  	_ =	sfence  }
0xc5: {  	s30 =	sld [smem:$0x0];
	_ =	sdelay $0x2  }
0xc6: {  	s31 =	sshll.u32 s1, $0xD;
	s1 =	sshrl.u32 s1, $0x2  }
0xc7: {  	s4 =	sand.u32 $0x4000, s31;
	s1 =	sadd.s32 s1, s30  }
0xc8: {  	s0 =	sor.u32 s4, s0;
	s1 =	sshll.u32 s1, $0x11  }
0xc9: {  	s0 =	sor.u32 s1, s0  }
0xca: {  	s0 =	sadd.s32 $0x8F2B, s0  }
0xcb: {  	[sflag:s0] =	ssyncadd.remote.s32 $0x1  }
0xcc: {  	_ =	sfence.sel $0xFFFF  }
0xcd: {  	[dreg:$0x0] =	wrdreg $0xFFFFFFFF;
	(pc) =	sbr.abs _section_cstart, $3  }
0xce: {  	[dreg:$0x1] =	wrdreg $0xFFFFFFFF  }
0xcf: {  	_ =	task.clear_ibuf [dreg:s22], $0x2FFFF;
	_ =	strace $0x9FFFFFFF  }
0xd0: {  	(tm) =	ssettm $0x7FFFFFFF  }
0xd1: {  	_ =	shalt  }
tec
execute0_lowered:
.L_overlay_start_1:
0x0: {  	(tag) =	ssettag $0x1  }
0x1: {  	s1 =	srdreg.scid;
	s0 =	stileid.u32  }
0x2: {  	s1 =	sand.u32 $0x1, s1;
	s2 =	sshll.u32 s0, $0x1  }
0x3: {  	s3 =	sor.u32 s1, s2  }
0x4: {  	s5 =	smul.u32 $0x340, s3  }
0x5: {  	s4 =	rddreg [dreg:$0x0];
	s2 =	simm.s32 $0x0;
	s6 =	smul.u32 $0x34000, s3  }
0x6: {  	[smem:$0x7FF] =	sst s2;
	s3 =	smul.u32 $0x6800, s3  }
0x7: {  	s7 =	sadd.s32 $0xADCA00, s4;
	_ =	strace $0x8000004A  }
0x8: {  	s5 =	sadd.s32 s5, s4;
	s6 =	sshrl.u32 s6, $0x3;
	s3 =	sadd.s32 s7, s3  }
0x9: {  	s5 =	sadd.s32 $0x9F6200, s5;
	s31 =	sadd.s32 s7, s6;
	[dreg:$0x3] =	wrdreg s3  }
0xa: {  	[dreg:$0x2] =	wrdreg s5;
	s20 =	sadd.s32 $0x800, s31  }
0xb: {  	s21 =	sadd.s32 $0x1000, s31;
	[dreg:$0x4] =	wrdreg s20  }
0xc: {  	s22 =	sadd.s32 $0x1800, s31;
	[dreg:$0x5] =	wrdreg s21  }
0xd: {  	s23 =	sadd.s32 $0x2000, s31;
	[dreg:$0x6] =	wrdreg s22  }
0xe: {  	s24 =	sadd.s32 $0x2800, s31;
	[dreg:$0x7] =	wrdreg s23  }
0xf: {  	[dreg:$0x8] =	wrdreg s24  }
0x10: {  	s25 =	sadd.s32 $0x3000, s31;
	s5 =	rddreg [dreg:$0x2]  }
0x11: {  	s26 =	sadd.s32 $0x3800, s31;
	[dreg:$0x9] =	wrdreg s25  }
0x12: {  	s3 =	simm.s32 $0x7;
	[dreg:$0xa] =	wrdreg s26  }
0x13: {  	[tilespmem:s2], [sflag:$0x7] =	stream.linear.gather [hbm4b:s5+s2], $0x1A00, $0x38;
	[tilespmem:$0xDA00] =	vst v63  }
0x14: {  	_ =	swait.ge [sflag:s3], $0x1A00  }
0x15: {  	s4 =	sadd.s32 $0x2200, s4;
	[sflag:s3] =	ssyncset.done $0x0  }
0x16: {  	s6 =	simm.s32 $0x1A00;
	s5 =	simm.s32 $0x200;
	[sflag:s3] =	ssyncadd.s32 $0xFFFFE600  }
0x17: {  	[tilespmem:s6], [sflag:$0x1] =	stream.indirect.gather [hbm4b:s4+s5], $0x20, s2, s5, $0xb8;
	[tilespmem:$0xDA00] =	vst v63  }
0x18: {  	s7 =	simm.s32 $0x5A00  }
0x19: {  	[tilespmem:s7], [sflag:$0x2] =	stream.indirect.gather [hbm4b:s4+s5], $0x20, s5, s5, $0xb8;
	[tilespmem:$0xDA00] =	vst v63  }
0x1a: {  	s8 =	simm.s32 $0x400;
	s9 =	simm.s32 $0x9A00;
	s10 =	simm.s32 $0x1  }
0x1b: {  	[tilespmem:s9], [sflag:$0x3] =	stream.indirect.gather [hbm4b:s4+s5], $0x20, s8, s5, $0xb8;
	[tilespmem:$0xDA00] =	vst v63  }
0x1c: {  	_ =	swait.ge [sflag:s10], $0x4000  }
0x1d: {  	[sflag:s10] =	ssyncset.done $0x0  }
0x1e: {  	s11 =	simm.s32 $0x4;
	s12 =	rddreg [dreg:$0x3];
	[sflag:s10] =	ssyncadd.s32 $0xFFFFC000  }
0x1f: {  	[hbm4b:s12+s2] =	stream.linear.scatter [tilespmem:s6], [sflag:$0x4], $0x4000, $0x38;
	[tilespmem:$0xDA00] =	vst v63  }
0x20: {  	_ =	swait.ge [sflag:s11], $0x4000  }
0x21: {  	[sflag:s11] =	ssyncset.done $0x0  }
0x22: {  	s13 =	simm.s32 $0x2;
	s12 =	simm.s32 $0x600;
	[sflag:s11] =	ssyncadd.s32 $0xFFFFC000  }
0x23: {  	[tilespmem:s6], [sflag:$0x1] =	stream.indirect.gather [hbm4b:s4+s5], $0x20, s12, s5, $0xb8;
	[tilespmem:$0xDA00] =	vst v63  }
0x24: {  	_ =	swait.ge [sflag:s13], $0x4000  }
0x25: {  	[sflag:s13] =	ssyncset.done $0x0  }
0x26: {  	s14 =	simm.s32 $0x5;
	s15 =	rddreg [dreg:$0x4];
	[sflag:s13] =	ssyncadd.s32 $0xFFFFC000  }
0x27: {  	[hbm4b:s15+s2] =	stream.linear.scatter [tilespmem:s7], [sflag:$0x5], $0x4000, $0x38;
	[tilespmem:$0xDA00] =	vst v63  }
0x28: {  	_ =	swait.ge [sflag:s14], $0x4000  }
0x29: {  	[sflag:s14] =	ssyncset.done $0x0  }
0x2a: {  	s16 =	simm.s32 $0x3;
	s15 =	simm.s32 $0x800;
	[sflag:s14] =	ssyncadd.s32 $0xFFFFC000  }
0x2b: {  	[tilespmem:s7], [sflag:$0x2] =	stream.indirect.gather [hbm4b:s4+s5], $0x20, s15, s5, $0xb8;
	[tilespmem:$0xDA00] =	vst v63  }
0x2c: {  	_ =	swait.ge [sflag:s16], $0x4000  }
0x2d: {  	[sflag:s16] =	ssyncset.done $0x0  }
0x2e: {  	s17 =	simm.s32 $0x6;
	s18 =	rddreg [dreg:$0x5];
	[sflag:s16] =	ssyncadd.s32 $0xFFFFC000  }
0x2f: {  	[hbm4b:s18+s2] =	stream.linear.scatter [tilespmem:s9], [sflag:$0x6], $0x4000, $0x38;
	[tilespmem:$0xDA00] =	vst v63  }
0x30: {  	_ =	swait.ge [sflag:s17], $0x4000  }
0x31: {  	[sflag:s17] =	ssyncset.done $0x0  }
0x32: {  	s18 =	simm.s32 $0xA00;
	[sflag:s17] =	ssyncadd.s32 $0xFFFFC000  }
0x33: {  	[tilespmem:s9], [sflag:$0x3] =	stream.indirect.gather [hbm4b:s4+s5], $0x20, s18, s5, $0xb8;
	[tilespmem:$0xDA00] =	vst v63  }
0x34: {  	_ =	swait.ge [sflag:s10], $0x4000  }
0x35: {  	[sflag:s10] =	ssyncset.done $0x0  }
0x36: {  	s19 =	rddreg [dreg:$0x6];
	[sflag:s10] =	ssyncadd.s32 $0xFFFFC000  }
0x37: {  	[hbm4b:s19+s2] =	stream.linear.scatter [tilespmem:s6], [sflag:$0x4], $0x4000, $0x38;
	[tilespmem:$0xDA00] =	vst v63  }
0x38: {  	_ =	swait.ge [sflag:s11], $0x4000  }
0x39: {  	[sflag:s11] =	ssyncset.done $0x0  }
0x3a: {  	s19 =	simm.s32 $0xC00;
	[sflag:s11] =	ssyncadd.s32 $0xFFFFC000  }
0x3b: {  	[tilespmem:s6], [sflag:$0x1] =	stream.indirect.gather [hbm4b:s4+s5], $0x20, s19, s5, $0xb8;
	[tilespmem:$0xDA00] =	vst v63  }
0x3c: {  	_ =	swait.ge [sflag:s13], $0x4000  }
0x3d: {  	[sflag:s13] =	ssyncset.done $0x0  }
0x3e: {  	s20 =	rddreg [dreg:$0x7];
	[sflag:s13] =	ssyncadd.s32 $0xFFFFC000  }
0x3f: {  	[hbm4b:s20+s2] =	stream.linear.scatter [tilespmem:s7], [sflag:$0x5], $0x4000, $0x38;
	[tilespmem:$0xDA00] =	vst v63  }
0x40: {  	_ =	swait.ge [sflag:s14], $0x4000  }
0x41: {  	[sflag:s14] =	ssyncset.done $0x0  }
0x42: {  	s20 =	simm.s32 $0xE00;
	[sflag:s14] =	ssyncadd.s32 $0xFFFFC000  }
0x43: {  	[tilespmem:s7], [sflag:$0x2] =	stream.indirect.gather [hbm4b:s4+s5], $0x20, s20, s5, $0xb8;
	[tilespmem:$0xDA00] =	vst v63  }
0x44: {  	_ =	swait.ge [sflag:s16], $0x4000  }
0x45: {  	[sflag:s16] =	ssyncset.done $0x0  }
0x46: {  	s21 =	rddreg [dreg:$0x8];
	[sflag:s16] =	ssyncadd.s32 $0xFFFFC000  }
0x47: {  	[hbm4b:s21+s2] =	stream.linear.scatter [tilespmem:s9], [sflag:$0x6], $0x4000, $0x38;
	[tilespmem:$0xDA00] =	vst v63  }
0x48: {  	_ =	swait.ge [sflag:s17], $0x4000  }
0x49: {  	[sflag:s17] =	ssyncset.done $0x0  }
0x4a: {  	s21 =	simm.s32 $0x1000;
	[sflag:s17] =	ssyncadd.s32 $0xFFFFC000  }
0x4b: {  	[tilespmem:s9], [sflag:$0x3] =	stream.indirect.gather [hbm4b:s4+s5], $0x20, s21, s5, $0xb8;
	[tilespmem:$0xDA00] =	vst v63  }
0x4c: {  	_ =	swait.ge [sflag:s10], $0x4000  }
0x4d: {  	[sflag:s10] =	ssyncset.done $0x0  }
0x4e: {  	s22 =	rddreg [dreg:$0x9];
	[sflag:s10] =	ssyncadd.s32 $0xFFFFC000  }
0x4f: {  	[hbm4b:s22+s2] =	stream.linear.scatter [tilespmem:s6], [sflag:$0x4], $0x4000, $0x38;
	[tilespmem:$0xDA00] =	vst v63  }
0x50: {  	_ =	swait.ge [sflag:s11], $0x4000  }
0x51: {  	[sflag:s11] =	ssyncset.done $0x0  }
0x52: {  	s22 =	simm.s32 $0x1200;
	[sflag:s11] =	ssyncadd.s32 $0xFFFFC000  }
0x53: {  	[tilespmem:s6], [sflag:$0x1] =	stream.indirect.gather [hbm4b:s4+s5], $0x20, s22, s5, $0xb8;
	[tilespmem:$0xDA00] =	vst v63  }
0x54: {  	_ =	swait.ge [sflag:s13], $0x4000  }
0x55: {  	[sflag:s13] =	ssyncset.done $0x0  }
0x56: {  	s23 =	rddreg [dreg:$0xa];
	[sflag:s13] =	ssyncadd.s32 $0xFFFFC000  }
0x57: {  	[hbm4b:s23+s2] =	stream.linear.scatter [tilespmem:s7], [sflag:$0x5], $0x4000, $0x38;
	[tilespmem:$0xDA00] =	vst v63  }
0x58: {  	_ =	swait.ge [sflag:s14], $0x4000  }
0x59: {  	[sflag:s14] =	ssyncset.done $0x0  }
0x5a: {  	s23 =	simm.s32 $0x1400;
	[sflag:s14] =	ssyncadd.s32 $0xFFFFC000  }
0x5b: {  	[tilespmem:s7], [sflag:$0x2] =	stream.indirect.gather [hbm4b:s4+s5], $0x20, s23, s5, $0xb8;
	[tilespmem:$0xDA00] =	vst v63  }
0x5c: {  	_ =	swait.ge [sflag:s16], $0x4000  }
0x5d: {  	[sflag:s16] =	ssyncset.done $0x0  }
0x5e: {  	s24 =	sadd.s32 $0x4000, s31;
	[sflag:s16] =	ssyncadd.s32 $0xFFFFC000  }
0x5f: {  	[hbm4b:s24+s2] =	stream.linear.scatter [tilespmem:s9], [sflag:$0x6], $0x4000, $0x38;
	[tilespmem:$0xDA00] =	vst v63  }
0x60: {  	_ =	swait.ge [sflag:s17], $0x4000  }
0x61: {  	[sflag:s17] =	ssyncset.done $0x0  }
0x62: {  	s25 =	simm.s32 $0x1600;
	[sflag:s17] =	ssyncadd.s32 $0xFFFFC000  }
0x63: {  	[tilespmem:s9], [sflag:$0x3] =	stream.indirect.gather [hbm4b:s4+s5], $0x20, s25, s5, $0xb8;
	[tilespmem:$0xDA00] =	vst v63  }
0x64: {  	_ =	swait.ge [sflag:s10], $0x4000  }
0x65: {  	[sflag:s10] =	ssyncset.done $0x0  }
0x66: {  	s26 =	sadd.s32 $0x4800, s31;
	[sflag:s10] =	ssyncadd.s32 $0xFFFFC000  }
0x67: {  	[hbm4b:s26+s2] =	stream.linear.scatter [tilespmem:s6], [sflag:$0x4], $0x4000, $0x38;
	[tilespmem:$0xDA00] =	vst v63  }
0x68: {  	_ =	swait.ge [sflag:s11], $0x4000  }
0x69: {  	[sflag:s11] =	ssyncset.done $0x0  }
0x6a: {  	s28 =	simm.s32 $0x1800;
	[sflag:s11] =	ssyncadd.s32 $0xFFFFC000  }
0x6b: {  	[tilespmem:s6], [sflag:$0x1] =	stream.indirect.gather [hbm4b:s4+s5], $0x20, s28, s5, $0xb8;
	[tilespmem:$0xDA00] =	vst v63  }
0x6c: {  	_ =	swait.ge [sflag:s13], $0x4000  }
0x6d: {  	[sflag:s13] =	ssyncset.done $0x0  }
0x6e: {  	s29 =	sadd.s32 $0x5000, s31;
	[sflag:s13] =	ssyncadd.s32 $0xFFFFC000  }
0x6f: {  	[hbm4b:s29+s2] =	stream.linear.scatter [tilespmem:s7], [sflag:$0x5], $0x4000, $0x38;
	[tilespmem:$0xDA00] =	vst v63  }
0x70: {  	_ =	swait.ge [sflag:s16], $0x4000  }
0x71: {  	[sflag:s16] =	ssyncset.done $0x0  }
0x72: {  	s30 =	sadd.s32 $0x5800, s31;
	[sflag:s16] =	ssyncadd.s32 $0xFFFFC000  }
0x73: {  	[hbm4b:s30+s2] =	stream.linear.scatter [tilespmem:s9], [sflag:$0x6], $0x4000, $0x38;
	[tilespmem:$0xDA00] =	vst v63  }
0x74: {  	s1 =	ssub.s32 $0x2, s1;
	_ =	swait.ge [sflag:s10], $0x4000  }
0x75: {  	s0 =	sshrl.u32 s1, $0x1;
	[sflag:s10] =	ssyncset.done $0x0  }
0x76: {  	s0 =	ssub.s32 s1, s0;
	s31 =	sadd.s32 $0x6000, s31;
	[sflag:s10] =	ssyncadd.s32 $0xFFFFC000  }
0x77: {  	[hbm4b:s31+s2] =	stream.linear.scatter [tilespmem:s6], [sflag:$0x4], $0x4000, $0x38;
	[tilespmem:$0xDA00] =	vst v63  }
0x78: {  	s0 =	smax.u32 s0, $0x1;
	_ =	swait.ge [sflag:s11], $0x4000  }
0x79: {  	p0 =	sne.s32 s0, $0x1;
	[sflag:s11] =	ssyncset.done $0x0  }
.Ltmp0:
0x7a: {  	[sflag:s11] =	ssyncadd.s32 $0xFFFFC000;
	(pc) =	sbr.rel @!p0 .LBB2_2-.Ltmp0, $4  }
0x7b: {  	_ =	swait.ge [sflag:s14], $0x4000  }
0x7c: {  	[sflag:s14] =	ssyncset.done $0x0  }
0x7d: {  	[sflag:s14] =	ssyncadd.s32 $0xFFFFC000  }
0x7e: {  	s1 =	sadd.s32 $0xFFFFFFFF, s0;
	_ =	swait.ge [sflag:s17], $0x4000  }
.LBB2_1:
0x7f: {  	[sflag:s17] =	ssyncset.done $0x0  }
0x80: {  	s0 =	rddreg [dreg:$0x2];
	[sflag:s17] =	ssyncadd.s32 $0xFFFFC000  }
0x81: {  	[tilespmem:s2], [sflag:$0x7] =	stream.linear.gather [hbm4b:s0+s2], $0x1A00, $0x38;
	[tilespmem:$0xDA00] =	vst v63  }
0x82: {  	_ =	swait.ge [sflag:s3], $0x1A00  }
0x83: {  	[sflag:s3] =	ssyncset.done $0x0  }
0x84: {  	[sflag:s3] =	ssyncadd.s32 $0xFFFFE600  }
0x85: {  	[tilespmem:s6], [sflag:$0x1] =	stream.indirect.gather [hbm4b:s4+s5], $0x20, s2, s5, $0xb8;
	[tilespmem:$0xDA00] =	vst v63  }
0x86: {  	_ = 	snop  }
0x87: {  	[tilespmem:s7], [sflag:$0x2] =	stream.indirect.gather [hbm4b:s4+s5], $0x20, s5, s5, $0xb8;
	[tilespmem:$0xDA00] =	vst v63  }
0x88: {  	_ = 	snop  }
0x89: {  	[tilespmem:s9], [sflag:$0x3] =	stream.indirect.gather [hbm4b:s4+s5], $0x20, s8, s5, $0xb8;
	[tilespmem:$0xDA00] =	vst v63  }
0x8a: {  	_ =	swait.ge [sflag:s10], $0x4000  }
0x8b: {  	[sflag:s10] =	ssyncset.done $0x0  }
0x8c: {  	s0 =	rddreg [dreg:$0x3];
	[sflag:s10] =	ssyncadd.s32 $0xFFFFC000  }
0x8d: {  	[hbm4b:s0+s2] =	stream.linear.scatter [tilespmem:s6], [sflag:$0x4], $0x4000, $0x38;
	[tilespmem:$0xDA00] =	vst v63  }
0x8e: {  	_ =	swait.ge [sflag:s11], $0x4000  }
0x8f: {  	[sflag:s11] =	ssyncset.done $0x0  }
0x90: {  	[sflag:s11] =	ssyncadd.s32 $0xFFFFC000  }
0x91: {  	[tilespmem:s6], [sflag:$0x1] =	stream.indirect.gather [hbm4b:s4+s5], $0x20, s12, s5, $0xb8;
	[tilespmem:$0xDA00] =	vst v63  }
0x92: {  	_ =	swait.ge [sflag:s13], $0x4000  }
0x93: {  	[sflag:s13] =	ssyncset.done $0x0  }
0x94: {  	s0 =	rddreg [dreg:$0x4];
	[sflag:s13] =	ssyncadd.s32 $0xFFFFC000  }
0x95: {  	[hbm4b:s0+s2] =	stream.linear.scatter [tilespmem:s7], [sflag:$0x5], $0x4000, $0x38;
	[tilespmem:$0xDA00] =	vst v63  }
0x96: {  	_ =	swait.ge [sflag:s14], $0x4000  }
0x97: {  	[sflag:s14] =	ssyncset.done $0x0  }
0x98: {  	[sflag:s14] =	ssyncadd.s32 $0xFFFFC000  }
0x99: {  	[tilespmem:s7], [sflag:$0x2] =	stream.indirect.gather [hbm4b:s4+s5], $0x20, s15, s5, $0xb8;
	[tilespmem:$0xDA00] =	vst v63  }
0x9a: {  	_ =	swait.ge [sflag:s16], $0x4000  }
0x9b: {  	[sflag:s16] =	ssyncset.done $0x0  }
0x9c: {  	s0 =	rddreg [dreg:$0x5];
	[sflag:s16] =	ssyncadd.s32 $0xFFFFC000  }
0x9d: {  	[hbm4b:s0+s2] =	stream.linear.scatter [tilespmem:s9], [sflag:$0x6], $0x4000, $0x38;
	[tilespmem:$0xDA00] =	vst v63  }
0x9e: {  	_ =	swait.ge [sflag:s17], $0x4000  }
0x9f: {  	[sflag:s17] =	ssyncset.done $0x0  }
0xa0: {  	[sflag:s17] =	ssyncadd.s32 $0xFFFFC000  }
0xa1: {  	[tilespmem:s9], [sflag:$0x3] =	stream.indirect.gather [hbm4b:s4+s5], $0x20, s18, s5, $0xb8;
	[tilespmem:$0xDA00] =	vst v63  }
0xa2: {  	_ =	swait.ge [sflag:s10], $0x4000  }
0xa3: {  	[sflag:s10] =	ssyncset.done $0x0  }
0xa4: {  	s0 =	rddreg [dreg:$0x6];
	[sflag:s10] =	ssyncadd.s32 $0xFFFFC000  }
0xa5: {  	[hbm4b:s0+s2] =	stream.linear.scatter [tilespmem:s6], [sflag:$0x4], $0x4000, $0x38;
	[tilespmem:$0xDA00] =	vst v63  }
0xa6: {  	_ =	swait.ge [sflag:s11], $0x4000  }
0xa7: {  	[sflag:s11] =	ssyncset.done $0x0  }
0xa8: {  	[sflag:s11] =	ssyncadd.s32 $0xFFFFC000  }
0xa9: {  	[tilespmem:s6], [sflag:$0x1] =	stream.indirect.gather [hbm4b:s4+s5], $0x20, s19, s5, $0xb8;
	[tilespmem:$0xDA00] =	vst v63  }
0xaa: {  	_ =	swait.ge [sflag:s13], $0x4000  }
0xab: {  	[sflag:s13] =	ssyncset.done $0x0  }
0xac: {  	s0 =	rddreg [dreg:$0x7];
	[sflag:s13] =	ssyncadd.s32 $0xFFFFC000  }
0xad: {  	[hbm4b:s0+s2] =	stream.linear.scatter [tilespmem:s7], [sflag:$0x5], $0x4000, $0x38;
	[tilespmem:$0xDA00] =	vst v63  }
0xae: {  	_ =	swait.ge [sflag:s14], $0x4000  }
0xaf: {  	[sflag:s14] =	ssyncset.done $0x0  }
0xb0: {  	[sflag:s14] =	ssyncadd.s32 $0xFFFFC000  }
0xb1: {  	[tilespmem:s7], [sflag:$0x2] =	stream.indirect.gather [hbm4b:s4+s5], $0x20, s20, s5, $0xb8;
	[tilespmem:$0xDA00] =	vst v63  }
0xb2: {  	_ =	swait.ge [sflag:s16], $0x4000  }
0xb3: {  	[sflag:s16] =	ssyncset.done $0x0  }
0xb4: {  	s0 =	rddreg [dreg:$0x8];
	[sflag:s16] =	ssyncadd.s32 $0xFFFFC000  }
0xb5: {  	[hbm4b:s0+s2] =	stream.linear.scatter [tilespmem:s9], [sflag:$0x6], $0x4000, $0x38;
	[tilespmem:$0xDA00] =	vst v63  }
0xb6: {  	_ =	swait.ge [sflag:s17], $0x4000  }
0xb7: {  	[sflag:s17] =	ssyncset.done $0x0  }
0xb8: {  	[sflag:s17] =	ssyncadd.s32 $0xFFFFC000  }
0xb9: {  	[tilespmem:s9], [sflag:$0x3] =	stream.indirect.gather [hbm4b:s4+s5], $0x20, s21, s5, $0xb8;
	[tilespmem:$0xDA00] =	vst v63  }
0xba: {  	_ =	swait.ge [sflag:s10], $0x4000  }
0xbb: {  	[sflag:s10] =	ssyncset.done $0x0  }
0xbc: {  	s0 =	rddreg [dreg:$0x9];
	[sflag:s10] =	ssyncadd.s32 $0xFFFFC000  }
0xbd: {  	[hbm4b:s0+s2] =	stream.linear.scatter [tilespmem:s6], [sflag:$0x4], $0x4000, $0x38;
	[tilespmem:$0xDA00] =	vst v63  }
0xbe: {  	_ =	swait.ge [sflag:s11], $0x4000  }
0xbf: {  	[sflag:s11] =	ssyncset.done $0x0  }
0xc0: {  	[sflag:s11] =	ssyncadd.s32 $0xFFFFC000  }
0xc1: {  	[tilespmem:s6], [sflag:$0x1] =	stream.indirect.gather [hbm4b:s4+s5], $0x20, s22, s5, $0xb8;
	[tilespmem:$0xDA00] =	vst v63  }
0xc2: {  	_ =	swait.ge [sflag:s13], $0x4000  }
0xc3: {  	[sflag:s13] =	ssyncset.done $0x0  }
0xc4: {  	s0 =	rddreg [dreg:$0xa];
	[sflag:s13] =	ssyncadd.s32 $0xFFFFC000  }
0xc5: {  	[hbm4b:s0+s2] =	stream.linear.scatter [tilespmem:s7], [sflag:$0x5], $0x4000, $0x38;
	[tilespmem:$0xDA00] =	vst v63  }
0xc6: {  	_ =	swait.ge [sflag:s14], $0x4000  }
0xc7: {  	[sflag:s14] =	ssyncset.done $0x0  }
0xc8: {  	[sflag:s14] =	ssyncadd.s32 $0xFFFFC000  }
0xc9: {  	[tilespmem:s7], [sflag:$0x2] =	stream.indirect.gather [hbm4b:s4+s5], $0x20, s23, s5, $0xb8;
	[tilespmem:$0xDA00] =	vst v63  }
0xca: {  	_ =	swait.ge [sflag:s16], $0x4000  }
0xcb: {  	[sflag:s16] =	ssyncset.done $0x0  }
0xcc: {  	[sflag:s16] =	ssyncadd.s32 $0xFFFFC000  }
0xcd: {  	[hbm4b:s24+s2] =	stream.linear.scatter [tilespmem:s9], [sflag:$0x6], $0x4000, $0x38;
	[tilespmem:$0xDA00] =	vst v63  }
0xce: {  	_ =	swait.ge [sflag:s17], $0x4000  }
0xcf: {  	[sflag:s17] =	ssyncset.done $0x0  }
0xd0: {  	[sflag:s17] =	ssyncadd.s32 $0xFFFFC000  }
0xd1: {  	[tilespmem:s9], [sflag:$0x3] =	stream.indirect.gather [hbm4b:s4+s5], $0x20, s25, s5, $0xb8;
	[tilespmem:$0xDA00] =	vst v63  }
0xd2: {  	_ =	swait.ge [sflag:s10], $0x4000  }
0xd3: {  	[sflag:s10] =	ssyncset.done $0x0  }
0xd4: {  	[sflag:s10] =	ssyncadd.s32 $0xFFFFC000  }
0xd5: {  	[hbm4b:s26+s2] =	stream.linear.scatter [tilespmem:s6], [sflag:$0x4], $0x4000, $0x38;
	[tilespmem:$0xDA00] =	vst v63  }
0xd6: {  	_ =	swait.ge [sflag:s11], $0x4000  }
0xd7: {  	[sflag:s11] =	ssyncset.done $0x0  }
0xd8: {  	[sflag:s11] =	ssyncadd.s32 $0xFFFFC000  }
0xd9: {  	[tilespmem:s6], [sflag:$0x1] =	stream.indirect.gather [hbm4b:s4+s5], $0x20, s28, s5, $0xb8;
	[tilespmem:$0xDA00] =	vst v63  }
0xda: {  	_ =	swait.ge [sflag:s13], $0x4000  }
0xdb: {  	[sflag:s13] =	ssyncset.done $0x0  }
0xdc: {  	[sflag:s13] =	ssyncadd.s32 $0xFFFFC000  }
0xdd: {  	[hbm4b:s29+s2] =	stream.linear.scatter [tilespmem:s7], [sflag:$0x5], $0x4000, $0x38;
	[tilespmem:$0xDA00] =	vst v63  }
0xde: {  	_ =	swait.ge [sflag:s16], $0x4000  }
0xdf: {  	[sflag:s16] =	ssyncset.done $0x0  }
0xe0: {  	[sflag:s16] =	ssyncadd.s32 $0xFFFFC000  }
0xe1: {  	[hbm4b:s30+s2] =	stream.linear.scatter [tilespmem:s9], [sflag:$0x6], $0x4000, $0x38;
	[tilespmem:$0xDA00] =	vst v63  }
0xe2: {  	_ =	swait.ge [sflag:s10], $0x4000  }
0xe3: {  	[sflag:s10] =	ssyncset.done $0x0  }
0xe4: {  	[sflag:s10] =	ssyncadd.s32 $0xFFFFC000  }
0xe5: {  	[hbm4b:s31+s2] =	stream.linear.scatter [tilespmem:s6], [sflag:$0x4], $0x4000, $0x38;
	[tilespmem:$0xDA00] =	vst v63  }
0xe6: {  	_ =	swait.ge [sflag:s11], $0x4000  }
0xe7: {  	p0 =	sne.s32 s1, $0x1;
	[sflag:s11] =	ssyncset.done $0x0  }
.Ltmp1:
0xe8: {  	[sflag:s11] =	ssyncadd.s32 $0xFFFFC000;
	(pc) =	sbr.rel @p0 .LBB2_1-.Ltmp1, $4  }
0xe9: {  	_ =	swait.ge [sflag:s14], $0x4000  }
0xea: {  	[sflag:s14] =	ssyncset.done $0x0  }
0xeb: {  	[sflag:s14] =	ssyncadd.s32 $0xFFFFC000  }
0xec: {  	s1 =	sadd.s32 $0xFFFFFFFF, s1;
	_ =	swait.ge [sflag:s17], $0x4000  }
.LBB2_2:
0xed: {  	[sflag:s17] =	ssyncset.done $0x0  }
0xee: {  	[sflag:s17] =	ssyncadd.s32 $0xFFFFC000  }
0xef: {  	_ =	sfence.sel $0x180000  }
0xf0: {  	[bflag:$0x0] =	sbarrier.arrive $0xFFFF  }
0xf1: {  	_ =	strace $0x9000004A  }
0xf2: {  	s0 =	stileid.u32;
	[bflag:$0x2] =	sbarrier.arrive $0xFFFF  }
0xf3: {  	p0 =	sne.s32 s0, $0x0;
	s0 =	rddreg [dreg:$0x1]  }
0xf4: {  	s0 =	sadd.s32 @!p0 $0x100000, s0  }
0xf5: {  	[sflag:s0] =	ssyncadd.tile.s32 @!p0 $0x1;
	_ =	shalt  }
.Lfunc_end2:
_tile_overlayer_lowered:
.L_overlay_start_2:
0xf6: {  	(tag) =	ssettag $0x2  }
0xf7: {  	s0 =	rddreg [dreg:$0x0];
	s2 =	stileid.u32  }
0xf8: {  	s1 =	rddreg [dreg:$0x1];
	p0 =	sne.s32 s2, $0x0  }
0xf9: {  	s3 =	rddreg [dreg:$0x2];
	[bflag:$0x3] =	sbarrier.arrive $0xFFFF;
	s2 =	simm.s32 @!p0 $0x1C07  }
0xfa: {  	[timem:s3], [sflag:s2] =	dma.local @!p0 [hbm:s0], s1  }
0xfb: {  	s0 =	simm.s32 @!p0 $0x7  }
0xfc: {  	_ =	swait.ge @!p0 [sflag:s0], s1  }
0xfd: {  	s1 =	ssub.s32 @!p0 $0x0, s1;
	[sflag:s0] =	ssyncset.done @!p0 $0x0  }
0xfe: {  	[sflag:s0] =	ssyncadd.s32 @!p0 s1  }
0xff: {  	[bflag:$0x3] =	sbarrier.arrive $0xFFFF  }
0x100: {  	_ =	shalt  }

</sc_bundles>
